<compile_context>
chip_gen: v7x
topology: tpu7x:2x2x1
jax: 0.10.2.dev20260603
libtpu: 0.0.44.dev20260713+nightly
codegen_flags: <defaults>
</compile_context>

<pallas_src>
import functools

import jax
import jax.numpy as jnp
from jax import lax
from jax.experimental import pallas as pl
from jax.experimental.pallas import tpu as pltpu
from jax.experimental.pallas import tpu_sc as plsc

D = 512
L = 200
B = 1024
NC = 2
NS = 16
NW = NC * NS
ROWS = L * B
RPW = ROWS // NW
C = 40
NCHUNK = RPW // C
NBUF = 4

_mesh = plsc.VectorSubcoreMesh(core_axis_name="c", subcore_axis_name="s")


@functools.partial(
    pl.kernel,
    mesh=_mesh,
    out_type=jax.ShapeDtypeStruct((ROWS, D), jnp.float32),
    scratch_types=[
        pltpu.VMEM((NCHUNK, C), jnp.int32),
        pltpu.VMEM((NBUF, C, D), jnp.float32),
        pltpu.SemaphoreType.DMA,
        pltpu.SemaphoreType.DMA,
    ],
)
def _pe_gather(idx_hbm, table_hbm, out_hbm, idx_v, buf_v, gsem, osem):
    wid = lax.axis_index("s") * NC + lax.axis_index("c")
    base = wid * RPW

    pltpu.sync_copy(idx_hbm.at[wid], idx_v)

    def out_dst(j):
        return out_hbm.at[pl.ds(base + j * C, C)]

    for b in range(NBUF - 1):
        pltpu.async_copy(table_hbm.at[idx_v.at[b]], buf_v.at[b], gsem)

    def body(i, _):
        g = i * NBUF
        for b in range(NBUF):
            j = g + b
            buf = buf_v.at[b]
            pltpu.make_async_copy(table_hbm.at[idx_v.at[j]], buf, gsem).wait()
            pltpu.async_copy(buf, out_dst(j), osem)
            k = j + NBUF - 1
            nbuf = buf_v.at[(b + NBUF - 1) % NBUF]

            if b == 0:
                @pl.when(i == 0)
                def _():
                    pltpu.async_copy(table_hbm.at[idx_v.at[k]], nbuf, gsem)

                @pl.when((i > 0) & (k < NCHUNK))
                def _():
                    pltpu.make_async_copy(
                        buf_v.at[(b + NBUF - 1) % NBUF], out_dst(j - 1), osem
                    ).wait()
                    pltpu.async_copy(table_hbm.at[idx_v.at[k]], nbuf, gsem)
            else:
                @pl.when(k < NCHUNK)
                def _():
                    pltpu.make_async_copy(
                        buf_v.at[(b + NBUF - 1) % NBUF], out_dst(j - 1), osem
                    ).wait()
                    pltpu.async_copy(table_hbm.at[idx_v.at[k]], nbuf, gsem)

        return ()

    lax.fori_loop(0, NCHUNK // NBUF, body, ())

    for b in range(NBUF):
        j = NCHUNK - NBUF + b
        pltpu.make_async_copy(buf_v.at[b], out_dst(j), osem).wait()


def kernel(x, pe):
    idx = x.T.reshape(NW, NCHUNK, C)
    out = _pe_gather(idx, pe)
    return out.reshape(L, B, D)

# --- scband reference (transcript-rebuilt; emitter-appended) ---
"""Pipeline reference for scband-positoin-encoder-33990371180839 (READ-ONLY COPY).

The authoritative reference and input builder live on the scoring server;
editing this copy changes nothing except your own understanding.
"""

import jax, jax.numpy as jnp
import numpy as np
import math

MAX_LEN = 8192
DMODEL = 512
B = 1024
L = 200


def _make_pe(max_len, dmodel):
    pe = np.zeros((max_len, dmodel), dtype=np.float32)
    position = np.arange(0, max_len)[:, None].astype(np.float32)
    div_term = np.exp(np.arange(0, dmodel, 2).astype(np.float32) * -(math.log(10000.0) / dmodel))
    pe[:, 0::2] = np.sin(position * div_term)
    pe[:, 1::2] = np.cos(position * div_term)
    return jnp.asarray(pe)


def setup_inputs(seed: int = 0) -> dict:
    key = jax.random.key(seed)
    x = jax.random.randint(key, (B, L), 0, MAX_LEN, dtype=jnp.int32)
    pe = _make_pe(MAX_LEN, DMODEL)
    return {"x": x, "pe": pe}


def reference(x, pe):
    # Faithful translation of PositoinEncoder.forward:
    #   self.pe[x.view(B*L), :].view(B, L, -1).transpose(0, 1)
    b, l = x.shape
    gathered = jnp.take(pe, x.reshape(b * l), axis=0)
    out = gathered.reshape(b, l, -1).transpose(1, 0, 2)
    return out

if __name__ == "__main__":
    import jax
    _d = setup_inputs()
    print(jax.jit(kernel)(*tuple(_d.values())))

</pallas_src>

<mosaic_0001>
#map = affine_map<(d0, d1) -> (0, 0, 0)>
#map1 = affine_map<(d0, d1) -> (0, 0)>
module attributes {stable_mosaic.version = 14 : i64} {
  func.func @_pe_gather(%arg0: i32, %arg1: i32, %arg2: memref<32x160x40xi32, #tpu.memory_space<hbm>>, %arg3: memref<8192x512xf32, #tpu.memory_space<hbm>>, %arg4: memref<204800x512xf32, #tpu.memory_space<hbm>>, %arg5: memref<160x40xi32, #tpu.memory_space<vmem>>, %arg6: memref<4x40x512xf32, #tpu.memory_space<vmem>>, %arg7: memref<!tpu.dma_semaphore, #tpu.memory_space<semaphore_mem>>, %arg8: memref<!tpu.dma_semaphore, #tpu.memory_space<semaphore_mem>>) attributes {dimension_semantics = [#tpu.dimension_semantics<core_parallel>, #tpu.dimension_semantics<subcore_parallel>], iteration_bounds = array<i64: 2, 16>, scalar_prefetch = 0 : i64, scratch_operands = 4 : i64, tpu.core_type = #tpu.core_type<sc_vector_subcore>, window_params = [{transform_indices = #map}, {transform_indices = #map1}, {transform_indices = #map1}]} {
    %mul3A = arith.constant 2 : i32
    %mul3A_0 = arith.muli %arg1, %mul3A : i32
    %add3A = arith.addi %mul3A_0, %arg0 : i32
    %mul3A_1 = arith.constant 6400 : i32
    %mul3A_2 = arith.muli %add3A, %mul3A_1 : i32
    "tpu.region"() ({
      %run_scoped3A = tpu.sem_alloc : memref<!tpu.dma_semaphore, #tpu.memory_space<semaphore_mem>>
      %dma_start3A_101 = arith.constant 0 : i32
      %dma_start3A_102 = arith.constant 0 : i32
      %dma_start3A_103 = tpu.memref_slice %arg2[%add3A, %dma_start3A_101, %dma_start3A_102] : memref<32x160x40xi32, #tpu.memory_space<hbm>> -> memref<1x160x40xi32, #tpu.memory_space<hbm>>
      %dma_start3A_104 = tpu.memref_squeeze %dma_start3A_103 : memref<1x160x40xi32, #tpu.memory_space<hbm>> -> memref<160x40xi32, #tpu.memory_space<hbm>>
      %dma_start3A_105 = arith.constant 0 : i32
      %dma_start3A_106 = arith.constant 0 : i32
      %dma_start3A_107 = tpu.memref_slice %arg2[%add3A, %dma_start3A_105, %dma_start3A_106] : memref<32x160x40xi32, #tpu.memory_space<hbm>> -> memref<1x160x40xi32, #tpu.memory_space<hbm>>
      %dma_start3A_108 = tpu.memref_squeeze %dma_start3A_107 : memref<1x160x40xi32, #tpu.memory_space<hbm>> -> memref<160x40xi32, #tpu.memory_space<hbm>>
      tpu.enqueue_dma source(%dma_start3A_108 : memref<160x40xi32, #tpu.memory_space<hbm>>) target(%arg5 : memref<160x40xi32, #tpu.memory_space<vmem>>) target_semaphore(%run_scoped3A : memref<!tpu.dma_semaphore, #tpu.memory_space<semaphore_mem>>)
      %dma_wait3A_109 = arith.constant 0 : i32
      %dma_wait3A_110 = arith.constant 0 : i32
      %dma_wait3A_111 = tpu.memref_slice %arg2[%add3A, %dma_wait3A_109, %dma_wait3A_110] : memref<32x160x40xi32, #tpu.memory_space<hbm>> -> memref<1x160x40xi32, #tpu.memory_space<hbm>>
      %dma_wait3A_112 = tpu.memref_squeeze %dma_wait3A_111 : memref<1x160x40xi32, #tpu.memory_space<hbm>> -> memref<160x40xi32, #tpu.memory_space<hbm>>
      %dma_wait3A_113 = arith.constant 0 : i32
      %dma_wait3A_114 = arith.constant 0 : i32
      %dma_wait3A_115 = tpu.memref_slice %arg2[%add3A, %dma_wait3A_113, %dma_wait3A_114] : memref<32x160x40xi32, #tpu.memory_space<hbm>> -> memref<1x160x40xi32, #tpu.memory_space<hbm>>
      %dma_wait3A_116 = tpu.memref_squeeze %dma_wait3A_115 : memref<1x160x40xi32, #tpu.memory_space<hbm>> -> memref<160x40xi32, #tpu.memory_space<hbm>>
      tpu.wait_dma2 semaphore(%run_scoped3A : memref<!tpu.dma_semaphore, #tpu.memory_space<semaphore_mem>>) src(%dma_wait3A_116 : memref<160x40xi32, #tpu.memory_space<hbm>>) dst(%arg5 : memref<160x40xi32, #tpu.memory_space<vmem>>)
      tpu.yield
    }) : () -> ()
    %dma_start3A = arith.constant 0 : i32
    %dma_start3A_3 = arith.constant 0 : i32
    %dma_start3A_4 = arith.constant 0 : i32
    %dma_start3A_5 = arith.constant 0 : i32
    %dma_start3A_6 = tpu.memref_slice %arg6[%dma_start3A_3, %dma_start3A_4, %dma_start3A_5] : memref<4x40x512xf32, #tpu.memory_space<vmem>> -> memref<1x40x512xf32, #tpu.memory_space<vmem>>
    %dma_start3A_7 = tpu.memref_squeeze %dma_start3A_6 : memref<1x40x512xf32, #tpu.memory_space<vmem>> -> memref<40x512xf32, #tpu.memory_space<vmem>>
    %dma_start3A_8 = arith.constant 0 : i32
    %dma_start3A_9 = tpu.memref_slice %arg5[%dma_start3A, %dma_start3A_8] : memref<160x40xi32, #tpu.memory_space<vmem>> -> memref<1x40xi32, #tpu.memory_space<vmem>>
    %dma_start3A_10 = tpu.memref_squeeze %dma_start3A_9 : memref<1x40xi32, #tpu.memory_space<vmem>> -> memref<40xi32, #tpu.memory_space<vmem>>
    %dma_start3A_11 = arith.constant 0 : i32
    %dma_start3A_12 = arith.constant 0 : i32
    %dma_start3A_13 = tpu.memref_slice %arg3[%dma_start3A_11, %dma_start3A_12] : memref<8192x512xf32, #tpu.memory_space<hbm>> -> memref<8192x512xf32, #tpu.memory_space<hbm>>
    tpu.enqueue_indirect_dma source(%dma_start3A_13 : memref<8192x512xf32, #tpu.memory_space<hbm>>) target(%dma_start3A_7 : memref<40x512xf32, #tpu.memory_space<vmem>>) offsets(%dma_start3A_10 : memref<40xi32, #tpu.memory_space<vmem>>) semaphore(%arg7 : memref<!tpu.dma_semaphore, #tpu.memory_space<semaphore_mem>>)
    %dma_start3A_14 = arith.constant 1 : i32
    %dma_start3A_15 = arith.constant 1 : i32
    %dma_start3A_16 = arith.constant 0 : i32
    %dma_start3A_17 = arith.constant 0 : i32
    %dma_start3A_18 = tpu.memref_slice %arg6[%dma_start3A_15, %dma_start3A_16, %dma_start3A_17] : memref<4x40x512xf32, #tpu.memory_space<vmem>> -> memref<1x40x512xf32, #tpu.memory_space<vmem>>
    %dma_start3A_19 = tpu.memref_squeeze %dma_start3A_18 : memref<1x40x512xf32, #tpu.memory_space<vmem>> -> memref<40x512xf32, #tpu.memory_space<vmem>>
    %dma_start3A_20 = arith.constant 0 : i32
    %dma_start3A_21 = tpu.memref_slice %arg5[%dma_start3A_14, %dma_start3A_20] : memref<160x40xi32, #tpu.memory_space<vmem>> -> memref<1x40xi32, #tpu.memory_space<vmem>>
    %dma_start3A_22 = tpu.memref_squeeze %dma_start3A_21 : memref<1x40xi32, #tpu.memory_space<vmem>> -> memref<40xi32, #tpu.memory_space<vmem>>
    %dma_start3A_23 = arith.constant 0 : i32
    %dma_start3A_24 = arith.constant 0 : i32
    %dma_start3A_25 = tpu.memref_slice %arg3[%dma_start3A_23, %dma_start3A_24] : memref<8192x512xf32, #tpu.memory_space<hbm>> -> memref<8192x512xf32, #tpu.memory_space<hbm>>
    tpu.enqueue_indirect_dma source(%dma_start3A_25 : memref<8192x512xf32, #tpu.memory_space<hbm>>) target(%dma_start3A_19 : memref<40x512xf32, #tpu.memory_space<vmem>>) offsets(%dma_start3A_22 : memref<40xi32, #tpu.memory_space<vmem>>) semaphore(%arg7 : memref<!tpu.dma_semaphore, #tpu.memory_space<semaphore_mem>>)
    %dma_start3A_26 = arith.constant 2 : i32
    %dma_start3A_27 = arith.constant 2 : i32
    %dma_start3A_28 = arith.constant 0 : i32
    %dma_start3A_29 = arith.constant 0 : i32
    %dma_start3A_30 = tpu.memref_slice %arg6[%dma_start3A_27, %dma_start3A_28, %dma_start3A_29] : memref<4x40x512xf32, #tpu.memory_space<vmem>> -> memref<1x40x512xf32, #tpu.memory_space<vmem>>
    %dma_start3A_31 = tpu.memref_squeeze %dma_start3A_30 : memref<1x40x512xf32, #tpu.memory_space<vmem>> -> memref<40x512xf32, #tpu.memory_space<vmem>>
    %dma_start3A_32 = arith.constant 0 : i32
    %dma_start3A_33 = tpu.memref_slice %arg5[%dma_start3A_26, %dma_start3A_32] : memref<160x40xi32, #tpu.memory_space<vmem>> -> memref<1x40xi32, #tpu.memory_space<vmem>>
    %dma_start3A_34 = tpu.memref_squeeze %dma_start3A_33 : memref<1x40xi32, #tpu.memory_space<vmem>> -> memref<40xi32, #tpu.memory_space<vmem>>
    %dma_start3A_35 = arith.constant 0 : i32
    %dma_start3A_36 = arith.constant 0 : i32
    %dma_start3A_37 = tpu.memref_slice %arg3[%dma_start3A_35, %dma_start3A_36] : memref<8192x512xf32, #tpu.memory_space<hbm>> -> memref<8192x512xf32, #tpu.memory_space<hbm>>
    tpu.enqueue_indirect_dma source(%dma_start3A_37 : memref<8192x512xf32, #tpu.memory_space<hbm>>) target(%dma_start3A_31 : memref<40x512xf32, #tpu.memory_space<vmem>>) offsets(%dma_start3A_34 : memref<40xi32, #tpu.memory_space<vmem>>) semaphore(%arg7 : memref<!tpu.dma_semaphore, #tpu.memory_space<semaphore_mem>>)
    %scan3A = arith.constant 0 : i32
    %scan3A_38 = arith.constant 40 : i32
    %scan3A_39 = arith.addi %scan3A, %scan3A_38 : i32
    %scan3A_40 = arith.constant 1 : i32
    scf.for %scan3A_101 = %scan3A to %scan3A_39 step %scan3A_40  : i32 {
      %mul3A_102 = arith.constant 4 : i32
      %mul3A_103 = arith.muli %scan3A_101, %mul3A_102 : i32
      %add3A_104 = arith.constant 0 : i32
      %add3A_105 = arith.addi %mul3A_103, %add3A_104 : i32
      %dma_wait3A_106 = arith.constant 0 : i32
      %dma_wait3A_107 = arith.constant 0 : i32
      %dma_wait3A_108 = arith.constant 0 : i32
      %dma_wait3A_109 = tpu.memref_slice %arg6[%dma_wait3A_106, %dma_wait3A_107, %dma_wait3A_108] : memref<4x40x512xf32, #tpu.memory_space<vmem>> -> memref<1x40x512xf32, #tpu.memory_space<vmem>>
      %dma_wait3A_110 = tpu.memref_squeeze %dma_wait3A_109 : memref<1x40x512xf32, #tpu.memory_space<vmem>> -> memref<40x512xf32, #tpu.memory_space<vmem>>
      %dma_wait3A_111 = arith.constant 0 : i32
      %dma_wait3A_112 = tpu.memref_slice %arg5[%add3A_105, %dma_wait3A_111] : memref<160x40xi32, #tpu.memory_space<vmem>> -> memref<1x40xi32, #tpu.memory_space<vmem>>
      %dma_wait3A_113 = tpu.memref_squeeze %dma_wait3A_112 : memref<1x40xi32, #tpu.memory_space<vmem>> -> memref<40xi32, #tpu.memory_space<vmem>>
      %dma_wait3A_114 = arith.constant 0 : i32
      %dma_wait3A_115 = arith.constant 0 : i32
      %dma_wait3A_116 = tpu.memref_slice %arg3[%dma_wait3A_114, %dma_wait3A_115] : memref<8192x512xf32, #tpu.memory_space<hbm>> -> memref<8192x512xf32, #tpu.memory_space<hbm>>
      tpu.wait_indirect_dma semaphore(%arg7 : memref<!tpu.dma_semaphore, #tpu.memory_space<semaphore_mem>>) src(%dma_wait3A_116 : memref<8192x512xf32, #tpu.memory_space<hbm>>) dst(%dma_wait3A_110 : memref<40x512xf32, #tpu.memory_space<vmem>>)
      %mul3A_117 = arith.constant 40 : i32
      %mul3A_118 = arith.muli %add3A_105, %mul3A_117 : i32
      %add3A_119 = arith.addi %mul3A_2, %mul3A_118 : i32
      %dma_start3A_120 = arith.constant 0 : i32
      %dma_start3A_121 = arith.constant 0 : i32
      %dma_start3A_122 = arith.constant 0 : i32
      %dma_start3A_123 = tpu.memref_slice %arg6[%dma_start3A_120, %dma_start3A_121, %dma_start3A_122] : memref<4x40x512xf32, #tpu.memory_space<vmem>> -> memref<1x40x512xf32, #tpu.memory_space<vmem>>
      %dma_start3A_124 = tpu.memref_squeeze %dma_start3A_123 : memref<1x40x512xf32, #tpu.memory_space<vmem>> -> memref<40x512xf32, #tpu.memory_space<vmem>>
      %dma_start3A_125 = arith.constant 0 : i32
      %dma_start3A_126 = tpu.memref_slice %arg4[%add3A_119, %dma_start3A_125] : memref<204800x512xf32, #tpu.memory_space<hbm>> -> memref<40x512xf32, #tpu.memory_space<hbm>>
      %dma_start3A_127 = arith.constant 0 : i32
      %dma_start3A_128 = tpu.memref_slice %arg4[%add3A_119, %dma_start3A_127] : memref<204800x512xf32, #tpu.memory_space<hbm>> -> memref<40x512xf32, #tpu.memory_space<hbm>>
      %dma_start3A_129 = arith.constant 0 : i32
      %dma_start3A_130 = arith.constant 0 : i32
      %dma_start3A_131 = tpu.memref_slice %arg6[%dma_start3A_120, %dma_start3A_129, %dma_start3A_130] : memref<4x40x512xf32, #tpu.memory_space<vmem>> -> memref<1x40x512xf32, #tpu.memory_space<vmem>>
      %dma_start3A_132 = tpu.memref_squeeze %dma_start3A_131 : memref<1x40x512xf32, #tpu.memory_space<vmem>> -> memref<40x512xf32, #tpu.memory_space<vmem>>
      tpu.enqueue_dma source(%dma_start3A_132 : memref<40x512xf32, #tpu.memory_space<vmem>>) target(%dma_start3A_128 : memref<40x512xf32, #tpu.memory_space<hbm>>) target_semaphore(%arg8 : memref<!tpu.dma_semaphore, #tpu.memory_space<semaphore_mem>>)
      %add3A_133 = arith.constant 4 : i32
      %add3A_134 = arith.addi %add3A_105, %add3A_133 : i32
      %sub3A = arith.constant 1 : i32
      %sub3A_135 = arith.subi %add3A_134, %sub3A : i32
      %eq3A = arith.constant 0 : i32
      %eq3A_136 = arith.cmpi eq, %scan3A_101, %eq3A : i32
      %convert_element_type3A = arith.extui %eq3A_136 : i1 to i32
      %cond3A = arith.constant 3 : i32
      %cond3A_137 = arith.constant 0 : i32
      %cond3A_138 = arith.cmpi ne, %convert_element_type3A, %cond3A_137 : i32
      scf.if %cond3A_138 {
        %dma_start3A_262 = arith.constant 0 : i32
        %dma_start3A_263 = arith.constant 0 : i32
        %dma_start3A_264 = tpu.memref_slice %arg6[%cond3A, %dma_start3A_262, %dma_start3A_263] : memref<4x40x512xf32, #tpu.memory_space<vmem>> -> memref<1x40x512xf32, #tpu.memory_space<vmem>>
        %dma_start3A_265 = tpu.memref_squeeze %dma_start3A_264 : memref<1x40x512xf32, #tpu.memory_space<vmem>> -> memref<40x512xf32, #tpu.memory_space<vmem>>
        %dma_start3A_266 = arith.constant 0 : i32
        %dma_start3A_267 = tpu.memref_slice %arg5[%sub3A_135, %dma_start3A_266] : memref<160x40xi32, #tpu.memory_space<vmem>> -> memref<1x40xi32, #tpu.memory_space<vmem>>
        %dma_start3A_268 = tpu.memref_squeeze %dma_start3A_267 : memref<1x40xi32, #tpu.memory_space<vmem>> -> memref<40xi32, #tpu.memory_space<vmem>>
        %dma_start3A_269 = arith.constant 0 : i32
        %dma_start3A_270 = arith.constant 0 : i32
        %dma_start3A_271 = tpu.memref_slice %arg3[%dma_start3A_269, %dma_start3A_270] : memref<8192x512xf32, #tpu.memory_space<hbm>> -> memref<8192x512xf32, #tpu.memory_space<hbm>>
        tpu.enqueue_indirect_dma source(%dma_start3A_271 : memref<8192x512xf32, #tpu.memory_space<hbm>>) target(%dma_start3A_265 : memref<40x512xf32, #tpu.memory_space<vmem>>) offsets(%dma_start3A_268 : memref<40xi32, #tpu.memory_space<vmem>>) semaphore(%arg7 : memref<!tpu.dma_semaphore, #tpu.memory_space<semaphore_mem>>)
      } else {
      }
      %gt3A = arith.constant 0 : i32
      %gt3A_139 = arith.cmpi sgt, %scan3A_101, %gt3A : i32
      %lt3A = arith.constant 160 : i32
      %lt3A_140 = arith.cmpi slt, %sub3A_135, %lt3A : i32
      %and3A = arith.andi %gt3A_139, %lt3A_140 : i1
      %convert_element_type3A_141 = arith.extui %and3A : i1 to i32
      %cond3A_142 = arith.constant 3 : i32
      %cond3A_143 = arith.constant 0 : i32
      %cond3A_144 = arith.cmpi ne, %convert_element_type3A_141, %cond3A_143 : i32
      scf.if %cond3A_144 {
        %sub3A_262 = arith.constant 1 : i32
        %sub3A_263 = arith.subi %add3A_105, %sub3A_262 : i32
        %mul3A_264 = arith.constant 40 : i32
        %mul3A_265 = arith.muli %sub3A_263, %mul3A_264 : i32
        %add3A_266 = arith.addi %mul3A_2, %mul3A_265 : i32
        %dma_wait3A_267 = arith.constant 3 : i32
        %dma_wait3A_268 = arith.constant 0 : i32
        %dma_wait3A_269 = arith.constant 0 : i32
        %dma_wait3A_270 = tpu.memref_slice %arg6[%dma_wait3A_267, %dma_wait3A_268, %dma_wait3A_269] : memref<4x40x512xf32, #tpu.memory_space<vmem>> -> memref<1x40x512xf32, #tpu.memory_space<vmem>>
        %dma_wait3A_271 = tpu.memref_squeeze %dma_wait3A_270 : memref<1x40x512xf32, #tpu.memory_space<vmem>> -> memref<40x512xf32, #tpu.memory_space<vmem>>
        %dma_wait3A_272 = arith.constant 0 : i32
        %dma_wait3A_273 = tpu.memref_slice %arg4[%add3A_266, %dma_wait3A_272] : memref<204800x512xf32, #tpu.memory_space<hbm>> -> memref<40x512xf32, #tpu.memory_space<hbm>>
        %dma_wait3A_274 = arith.constant 0 : i32
        %dma_wait3A_275 = tpu.memref_slice %arg4[%add3A_266, %dma_wait3A_274] : memref<204800x512xf32, #tpu.memory_space<hbm>> -> memref<40x512xf32, #tpu.memory_space<hbm>>
        %dma_wait3A_276 = arith.constant 0 : i32
        %dma_wait3A_277 = arith.constant 0 : i32
        %dma_wait3A_278 = tpu.memref_slice %arg6[%dma_wait3A_267, %dma_wait3A_276, %dma_wait3A_277] : memref<4x40x512xf32, #tpu.memory_space<vmem>> -> memref<1x40x512xf32, #tpu.memory_space<vmem>>
        %dma_wait3A_279 = tpu.memref_squeeze %dma_wait3A_278 : memref<1x40x512xf32, #tpu.memory_space<vmem>> -> memref<40x512xf32, #tpu.memory_space<vmem>>
        tpu.wait_dma2 semaphore(%arg8 : memref<!tpu.dma_semaphore, #tpu.memory_space<semaphore_mem>>) src(%dma_wait3A_279 : memref<40x512xf32, #tpu.memory_space<vmem>>) dst(%dma_wait3A_275 : memref<40x512xf32, #tpu.memory_space<hbm>>)
        %dma_start3A_280 = arith.constant 0 : i32
        %dma_start3A_281 = arith.constant 0 : i32
        %dma_start3A_282 = tpu.memref_slice %arg6[%cond3A_142, %dma_start3A_280, %dma_start3A_281] : memref<4x40x512xf32, #tpu.memory_space<vmem>> -> memref<1x40x512xf32, #tpu.memory_space<vmem>>
        %dma_start3A_283 = tpu.memref_squeeze %dma_start3A_282 : memref<1x40x512xf32, #tpu.memory_space<vmem>> -> memref<40x512xf32, #tpu.memory_space<vmem>>
        %dma_start3A_284 = arith.constant 0 : i32
        %dma_start3A_285 = tpu.memref_slice %arg5[%sub3A_135, %dma_start3A_284] : memref<160x40xi32, #tpu.memory_space<vmem>> -> memref<1x40xi32, #tpu.memory_space<vmem>>
        %dma_start3A_286 = tpu.memref_squeeze %dma_start3A_285 : memref<1x40xi32, #tpu.memory_space<vmem>> -> memref<40xi32, #tpu.memory_space<vmem>>
        %dma_start3A_287 = arith.constant 0 : i32
        %dma_start3A_288 = arith.constant 0 : i32
        %dma_start3A_289 = tpu.memref_slice %arg3[%dma_start3A_287, %dma_start3A_288] : memref<8192x512xf32, #tpu.memory_space<hbm>> -> memref<8192x512xf32, #tpu.memory_space<hbm>>
        tpu.enqueue_indirect_dma source(%dma_start3A_289 : memref<8192x512xf32, #tpu.memory_space<hbm>>) target(%dma_start3A_283 : memref<40x512xf32, #tpu.memory_space<vmem>>) offsets(%dma_start3A_286 : memref<40xi32, #tpu.memory_space<vmem>>) semaphore(%arg7 : memref<!tpu.dma_semaphore, #tpu.memory_space<semaphore_mem>>)
      } else {
      }
      %add3A_145 = arith.constant 1 : i32
      %add3A_146 = arith.addi %mul3A_103, %add3A_145 : i32
      %dma_wait3A_147 = arith.constant 1 : i32
      %dma_wait3A_148 = arith.constant 0 : i32
      %dma_wait3A_149 = arith.constant 0 : i32
      %dma_wait3A_150 = tpu.memref_slice %arg6[%dma_wait3A_147, %dma_wait3A_148, %dma_wait3A_149] : memref<4x40x512xf32, #tpu.memory_space<vmem>> -> memref<1x40x512xf32, #tpu.memory_space<vmem>>
      %dma_wait3A_151 = tpu.memref_squeeze %dma_wait3A_150 : memref<1x40x512xf32, #tpu.memory_space<vmem>> -> memref<40x512xf32, #tpu.memory_space<vmem>>
      %dma_wait3A_152 = arith.constant 0 : i32
      %dma_wait3A_153 = tpu.memref_slice %arg5[%add3A_146, %dma_wait3A_152] : memref<160x40xi32, #tpu.memory_space<vmem>> -> memref<1x40xi32, #tpu.memory_space<vmem>>
      %dma_wait3A_154 = tpu.memref_squeeze %dma_wait3A_153 : memref<1x40xi32, #tpu.memory_space<vmem>> -> memref<40xi32, #tpu.memory_space<vmem>>
      %dma_wait3A_155 = arith.constant 0 : i32
      %dma_wait3A_156 = arith.constant 0 : i32
      %dma_wait3A_157 = tpu.memref_slice %arg3[%dma_wait3A_155, %dma_wait3A_156] : memref<8192x512xf32, #tpu.memory_space<hbm>> -> memref<8192x512xf32, #tpu.memory_space<hbm>>
      tpu.wait_indirect_dma semaphore(%arg7 : memref<!tpu.dma_semaphore, #tpu.memory_space<semaphore_mem>>) src(%dma_wait3A_157 : memref<8192x512xf32, #tpu.memory_space<hbm>>) dst(%dma_wait3A_151 : memref<40x512xf32, #tpu.memory_space<vmem>>)
      %mul3A_158 = arith.constant 40 : i32
      %mul3A_159 = arith.muli %add3A_146, %mul3A_158 : i32
      %add3A_160 = arith.addi %mul3A_2, %mul3A_159 : i32
      %dma_start3A_161 = arith.constant 1 : i32
      %dma_start3A_162 = arith.constant 0 : i32
      %dma_start3A_163 = arith.constant 0 : i32
      %dma_start3A_164 = tpu.memref_slice %arg6[%dma_start3A_161, %dma_start3A_162, %dma_start3A_163] : memref<4x40x512xf32, #tpu.memory_space<vmem>> -> memref<1x40x512xf32, #tpu.memory_space<vmem>>
      %dma_start3A_165 = tpu.memref_squeeze %dma_start3A_164 : memref<1x40x512xf32, #tpu.memory_space<vmem>> -> memref<40x512xf32, #tpu.memory_space<vmem>>
      %dma_start3A_166 = arith.constant 0 : i32
      %dma_start3A_167 = tpu.memref_slice %arg4[%add3A_160, %dma_start3A_166] : memref<204800x512xf32, #tpu.memory_space<hbm>> -> memref<40x512xf32, #tpu.memory_space<hbm>>
      %dma_start3A_168 = arith.constant 0 : i32
      %dma_start3A_169 = tpu.memref_slice %arg4[%add3A_160, %dma_start3A_168] : memref<204800x512xf32, #tpu.memory_space<hbm>> -> memref<40x512xf32, #tpu.memory_space<hbm>>
      %dma_start3A_170 = arith.constant 0 : i32
      %dma_start3A_171 = arith.constant 0 : i32
      %dma_start3A_172 = tpu.memref_slice %arg6[%dma_start3A_161, %dma_start3A_170, %dma_start3A_171] : memref<4x40x512xf32, #tpu.memory_space<vmem>> -> memref<1x40x512xf32, #tpu.memory_space<vmem>>
      %dma_start3A_173 = tpu.memref_squeeze %dma_start3A_172 : memref<1x40x512xf32, #tpu.memory_space<vmem>> -> memref<40x512xf32, #tpu.memory_space<vmem>>
      tpu.enqueue_dma source(%dma_start3A_173 : memref<40x512xf32, #tpu.memory_space<vmem>>) target(%dma_start3A_169 : memref<40x512xf32, #tpu.memory_space<hbm>>) target_semaphore(%arg8 : memref<!tpu.dma_semaphore, #tpu.memory_space<semaphore_mem>>)
      %add3A_174 = arith.constant 4 : i32
      %add3A_175 = arith.addi %add3A_146, %add3A_174 : i32
      %sub3A_176 = arith.constant 1 : i32
      %sub3A_177 = arith.subi %add3A_175, %sub3A_176 : i32
      %lt3A_178 = arith.constant 160 : i32
      %lt3A_179 = arith.cmpi slt, %sub3A_177, %lt3A_178 : i32
      %convert_element_type3A_180 = arith.extui %lt3A_179 : i1 to i32
      %cond3A_181 = arith.constant 0 : i32
      %cond3A_182 = arith.constant 0 : i32
      %cond3A_183 = arith.cmpi ne, %convert_element_type3A_180, %cond3A_182 : i32
      scf.if %cond3A_183 {
        %sub3A_262 = arith.constant 1 : i32
        %sub3A_263 = arith.subi %add3A_146, %sub3A_262 : i32
        %mul3A_264 = arith.constant 40 : i32
        %mul3A_265 = arith.muli %sub3A_263, %mul3A_264 : i32
        %add3A_266 = arith.addi %mul3A_2, %mul3A_265 : i32
        %dma_wait3A_267 = arith.constant 0 : i32
        %dma_wait3A_268 = arith.constant 0 : i32
        %dma_wait3A_269 = arith.constant 0 : i32
        %dma_wait3A_270 = tpu.memref_slice %arg6[%dma_wait3A_267, %dma_wait3A_268, %dma_wait3A_269] : memref<4x40x512xf32, #tpu.memory_space<vmem>> -> memref<1x40x512xf32, #tpu.memory_space<vmem>>
        %dma_wait3A_271 = tpu.memref_squeeze %dma_wait3A_270 : memref<1x40x512xf32, #tpu.memory_space<vmem>> -> memref<40x512xf32, #tpu.memory_space<vmem>>
        %dma_wait3A_272 = arith.constant 0 : i32
        %dma_wait3A_273 = tpu.memref_slice %arg4[%add3A_266, %dma_wait3A_272] : memref<204800x512xf32, #tpu.memory_space<hbm>> -> memref<40x512xf32, #tpu.memory_space<hbm>>
        %dma_wait3A_274 = arith.constant 0 : i32
        %dma_wait3A_275 = tpu.memref_slice %arg4[%add3A_266, %dma_wait3A_274] : memref<204800x512xf32, #tpu.memory_space<hbm>> -> memref<40x512xf32, #tpu.memory_space<hbm>>
        %dma_wait3A_276 = arith.constant 0 : i32
        %dma_wait3A_277 = arith.constant 0 : i32
        %dma_wait3A_278 = tpu.memref_slice %arg6[%dma_wait3A_267, %dma_wait3A_276, %dma_wait3A_277] : memref<4x40x512xf32, #tpu.memory_space<vmem>> -> memref<1x40x512xf32, #tpu.memory_space<vmem>>
        %dma_wait3A_279 = tpu.memref_squeeze %dma_wait3A_278 : memref<1x40x512xf32, #tpu.memory_space<vmem>> -> memref<40x512xf32, #tpu.memory_space<vmem>>
        tpu.wait_dma2 semaphore(%arg8 : memref<!tpu.dma_semaphore, #tpu.memory_space<semaphore_mem>>) src(%dma_wait3A_279 : memref<40x512xf32, #tpu.memory_space<vmem>>) dst(%dma_wait3A_275 : memref<40x512xf32, #tpu.memory_space<hbm>>)
        %dma_start3A_280 = arith.constant 0 : i32
        %dma_start3A_281 = arith.constant 0 : i32
        %dma_start3A_282 = tpu.memref_slice %arg6[%cond3A_181, %dma_start3A_280, %dma_start3A_281] : memref<4x40x512xf32, #tpu.memory_space<vmem>> -> memref<1x40x512xf32, #tpu.memory_space<vmem>>
        %dma_start3A_283 = tpu.memref_squeeze %dma_start3A_282 : memref<1x40x512xf32, #tpu.memory_space<vmem>> -> memref<40x512xf32, #tpu.memory_space<vmem>>
        %dma_start3A_284 = arith.constant 0 : i32
        %dma_start3A_285 = tpu.memref_slice %arg5[%sub3A_177, %dma_start3A_284] : memref<160x40xi32, #tpu.memory_space<vmem>> -> memref<1x40xi32, #tpu.memory_space<vmem>>
        %dma_start3A_286 = tpu.memref_squeeze %dma_start3A_285 : memref<1x40xi32, #tpu.memory_space<vmem>> -> memref<40xi32, #tpu.memory_space<vmem>>
        %dma_start3A_287 = arith.constant 0 : i32
        %dma_start3A_288 = arith.constant 0 : i32
        %dma_start3A_289 = tpu.memref_slice %arg3[%dma_start3A_287, %dma_start3A_288] : memref<8192x512xf32, #tpu.memory_space<hbm>> -> memref<8192x512xf32, #tpu.memory_space<hbm>>
        tpu.enqueue_indirect_dma source(%dma_start3A_289 : memref<8192x512xf32, #tpu.memory_space<hbm>>) target(%dma_start3A_283 : memref<40x512xf32, #tpu.memory_space<vmem>>) offsets(%dma_start3A_286 : memref<40xi32, #tpu.memory_space<vmem>>) semaphore(%arg7 : memref<!tpu.dma_semaphore, #tpu.memory_space<semaphore_mem>>)
      } else {
      }
      %add3A_184 = arith.constant 2 : i32
      %add3A_185 = arith.addi %mul3A_103, %add3A_184 : i32
      %dma_wait3A_186 = arith.constant 2 : i32
      %dma_wait3A_187 = arith.constant 0 : i32
      %dma_wait3A_188 = arith.constant 0 : i32
      %dma_wait3A_189 = tpu.memref_slice %arg6[%dma_wait3A_186, %dma_wait3A_187, %dma_wait3A_188] : memref<4x40x512xf32, #tpu.memory_space<vmem>> -> memref<1x40x512xf32, #tpu.memory_space<vmem>>
      %dma_wait3A_190 = tpu.memref_squeeze %dma_wait3A_189 : memref<1x40x512xf32, #tpu.memory_space<vmem>> -> memref<40x512xf32, #tpu.memory_space<vmem>>
      %dma_wait3A_191 = arith.constant 0 : i32
      %dma_wait3A_192 = tpu.memref_slice %arg5[%add3A_185, %dma_wait3A_191] : memref<160x40xi32, #tpu.memory_space<vmem>> -> memref<1x40xi32, #tpu.memory_space<vmem>>
      %dma_wait3A_193 = tpu.memref_squeeze %dma_wait3A_192 : memref<1x40xi32, #tpu.memory_space<vmem>> -> memref<40xi32, #tpu.memory_space<vmem>>
      %dma_wait3A_194 = arith.constant 0 : i32
      %dma_wait3A_195 = arith.constant 0 : i32
      %dma_wait3A_196 = tpu.memref_slice %arg3[%dma_wait3A_194, %dma_wait3A_195] : memref<8192x512xf32, #tpu.memory_space<hbm>> -> memref<8192x512xf32, #tpu.memory_space<hbm>>
      tpu.wait_indirect_dma semaphore(%arg7 : memref<!tpu.dma_semaphore, #tpu.memory_space<semaphore_mem>>) src(%dma_wait3A_196 : memref<8192x512xf32, #tpu.memory_space<hbm>>) dst(%dma_wait3A_190 : memref<40x512xf32, #tpu.memory_space<vmem>>)
      %mul3A_197 = arith.constant 40 : i32
      %mul3A_198 = arith.muli %add3A_185, %mul3A_197 : i32
      %add3A_199 = arith.addi %mul3A_2, %mul3A_198 : i32
      %dma_start3A_200 = arith.constant 2 : i32
      %dma_start3A_201 = arith.constant 0 : i32
      %dma_start3A_202 = arith.constant 0 : i32
      %dma_start3A_203 = tpu.memref_slice %arg6[%dma_start3A_200, %dma_start3A_201, %dma_start3A_202] : memref<4x40x512xf32, #tpu.memory_space<vmem>> -> memref<1x40x512xf32, #tpu.memory_space<vmem>>
      %dma_start3A_204 = tpu.memref_squeeze %dma_start3A_203 : memref<1x40x512xf32, #tpu.memory_space<vmem>> -> memref<40x512xf32, #tpu.memory_space<vmem>>
      %dma_start3A_205 = arith.constant 0 : i32
      %dma_start3A_206 = tpu.memref_slice %arg4[%add3A_199, %dma_start3A_205] : memref<204800x512xf32, #tpu.memory_space<hbm>> -> memref<40x512xf32, #tpu.memory_space<hbm>>
      %dma_start3A_207 = arith.constant 0 : i32
      %dma_start3A_208 = tpu.memref_slice %arg4[%add3A_199, %dma_start3A_207] : memref<204800x512xf32, #tpu.memory_space<hbm>> -> memref<40x512xf32, #tpu.memory_space<hbm>>
      %dma_start3A_209 = arith.constant 0 : i32
      %dma_start3A_210 = arith.constant 0 : i32
      %dma_start3A_211 = tpu.memref_slice %arg6[%dma_start3A_200, %dma_start3A_209, %dma_start3A_210] : memref<4x40x512xf32, #tpu.memory_space<vmem>> -> memref<1x40x512xf32, #tpu.memory_space<vmem>>
      %dma_start3A_212 = tpu.memref_squeeze %dma_start3A_211 : memref<1x40x512xf32, #tpu.memory_space<vmem>> -> memref<40x512xf32, #tpu.memory_space<vmem>>
      tpu.enqueue_dma source(%dma_start3A_212 : memref<40x512xf32, #tpu.memory_space<vmem>>) target(%dma_start3A_208 : memref<40x512xf32, #tpu.memory_space<hbm>>) target_semaphore(%arg8 : memref<!tpu.dma_semaphore, #tpu.memory_space<semaphore_mem>>)
      %add3A_213 = arith.constant 4 : i32
      %add3A_214 = arith.addi %add3A_185, %add3A_213 : i32
      %sub3A_215 = arith.constant 1 : i32
      %sub3A_216 = arith.subi %add3A_214, %sub3A_215 : i32
      %lt3A_217 = arith.constant 160 : i32
      %lt3A_218 = arith.cmpi slt, %sub3A_216, %lt3A_217 : i32
      %convert_element_type3A_219 = arith.extui %lt3A_218 : i1 to i32
      %cond3A_220 = arith.constant 1 : i32
      %cond3A_221 = arith.constant 0 : i32
      %cond3A_222 = arith.cmpi ne, %convert_element_type3A_219, %cond3A_221 : i32
      scf.if %cond3A_222 {
        %sub3A_262 = arith.constant 1 : i32
        %sub3A_263 = arith.subi %add3A_185, %sub3A_262 : i32
        %mul3A_264 = arith.constant 40 : i32
        %mul3A_265 = arith.muli %sub3A_263, %mul3A_264 : i32
        %add3A_266 = arith.addi %mul3A_2, %mul3A_265 : i32
        %dma_wait3A_267 = arith.constant 1 : i32
        %dma_wait3A_268 = arith.constant 0 : i32
        %dma_wait3A_269 = arith.constant 0 : i32
        %dma_wait3A_270 = tpu.memref_slice %arg6[%dma_wait3A_267, %dma_wait3A_268, %dma_wait3A_269] : memref<4x40x512xf32, #tpu.memory_space<vmem>> -> memref<1x40x512xf32, #tpu.memory_space<vmem>>
        %dma_wait3A_271 = tpu.memref_squeeze %dma_wait3A_270 : memref<1x40x512xf32, #tpu.memory_space<vmem>> -> memref<40x512xf32, #tpu.memory_space<vmem>>
        %dma_wait3A_272 = arith.constant 0 : i32
        %dma_wait3A_273 = tpu.memref_slice %arg4[%add3A_266, %dma_wait3A_272] : memref<204800x512xf32, #tpu.memory_space<hbm>> -> memref<40x512xf32, #tpu.memory_space<hbm>>
        %dma_wait3A_274 = arith.constant 0 : i32
        %dma_wait3A_275 = tpu.memref_slice %arg4[%add3A_266, %dma_wait3A_274] : memref<204800x512xf32, #tpu.memory_space<hbm>> -> memref<40x512xf32, #tpu.memory_space<hbm>>
        %dma_wait3A_276 = arith.constant 0 : i32
        %dma_wait3A_277 = arith.constant 0 : i32
        %dma_wait3A_278 = tpu.memref_slice %arg6[%dma_wait3A_267, %dma_wait3A_276, %dma_wait3A_277] : memref<4x40x512xf32, #tpu.memory_space<vmem>> -> memref<1x40x512xf32, #tpu.memory_space<vmem>>
        %dma_wait3A_279 = tpu.memref_squeeze %dma_wait3A_278 : memref<1x40x512xf32, #tpu.memory_space<vmem>> -> memref<40x512xf32, #tpu.memory_space<vmem>>
        tpu.wait_dma2 semaphore(%arg8 : memref<!tpu.dma_semaphore, #tpu.memory_space<semaphore_mem>>) src(%dma_wait3A_279 : memref<40x512xf32, #tpu.memory_space<vmem>>) dst(%dma_wait3A_275 : memref<40x512xf32, #tpu.memory_space<hbm>>)
        %dma_start3A_280 = arith.constant 0 : i32
        %dma_start3A_281 = arith.constant 0 : i32
        %dma_start3A_282 = tpu.memref_slice %arg6[%cond3A_220, %dma_start3A_280, %dma_start3A_281] : memref<4x40x512xf32, #tpu.memory_space<vmem>> -> memref<1x40x512xf32, #tpu.memory_space<vmem>>
        %dma_start3A_283 = tpu.memref_squeeze %dma_start3A_282 : memref<1x40x512xf32, #tpu.memory_space<vmem>> -> memref<40x512xf32, #tpu.memory_space<vmem>>
        %dma_start3A_284 = arith.constant 0 : i32
        %dma_start3A_285 = tpu.memref_slice %arg5[%sub3A_216, %dma_start3A_284] : memref<160x40xi32, #tpu.memory_space<vmem>> -> memref<1x40xi32, #tpu.memory_space<vmem>>
        %dma_start3A_286 = tpu.memref_squeeze %dma_start3A_285 : memref<1x40xi32, #tpu.memory_space<vmem>> -> memref<40xi32, #tpu.memory_space<vmem>>
        %dma_start3A_287 = arith.constant 0 : i32
        %dma_start3A_288 = arith.constant 0 : i32
        %dma_start3A_289 = tpu.memref_slice %arg3[%dma_start3A_287, %dma_start3A_288] : memref<8192x512xf32, #tpu.memory_space<hbm>> -> memref<8192x512xf32, #tpu.memory_space<hbm>>
        tpu.enqueue_indirect_dma source(%dma_start3A_289 : memref<8192x512xf32, #tpu.memory_space<hbm>>) target(%dma_start3A_283 : memref<40x512xf32, #tpu.memory_space<vmem>>) offsets(%dma_start3A_286 : memref<40xi32, #tpu.memory_space<vmem>>) semaphore(%arg7 : memref<!tpu.dma_semaphore, #tpu.memory_space<semaphore_mem>>)
      } else {
      }
      %add3A_223 = arith.constant 3 : i32
      %add3A_224 = arith.addi %mul3A_103, %add3A_223 : i32
      %dma_wait3A_225 = arith.constant 3 : i32
      %dma_wait3A_226 = arith.constant 0 : i32
      %dma_wait3A_227 = arith.constant 0 : i32
      %dma_wait3A_228 = tpu.memref_slice %arg6[%dma_wait3A_225, %dma_wait3A_226, %dma_wait3A_227] : memref<4x40x512xf32, #tpu.memory_space<vmem>> -> memref<1x40x512xf32, #tpu.memory_space<vmem>>
      %dma_wait3A_229 = tpu.memref_squeeze %dma_wait3A_228 : memref<1x40x512xf32, #tpu.memory_space<vmem>> -> memref<40x512xf32, #tpu.memory_space<vmem>>
      %dma_wait3A_230 = arith.constant 0 : i32
      %dma_wait3A_231 = tpu.memref_slice %arg5[%add3A_224, %dma_wait3A_230] : memref<160x40xi32, #tpu.memory_space<vmem>> -> memref<1x40xi32, #tpu.memory_space<vmem>>
      %dma_wait3A_232 = tpu.memref_squeeze %dma_wait3A_231 : memref<1x40xi32, #tpu.memory_space<vmem>> -> memref<40xi32, #tpu.memory_space<vmem>>
      %dma_wait3A_233 = arith.constant 0 : i32
      %dma_wait3A_234 = arith.constant 0 : i32
      %dma_wait3A_235 = tpu.memref_slice %arg3[%dma_wait3A_233, %dma_wait3A_234] : memref<8192x512xf32, #tpu.memory_space<hbm>> -> memref<8192x512xf32, #tpu.memory_space<hbm>>
      tpu.wait_indirect_dma semaphore(%arg7 : memref<!tpu.dma_semaphore, #tpu.memory_space<semaphore_mem>>) src(%dma_wait3A_235 : memref<8192x512xf32, #tpu.memory_space<hbm>>) dst(%dma_wait3A_229 : memref<40x512xf32, #tpu.memory_space<vmem>>)
      %mul3A_236 = arith.constant 40 : i32
      %mul3A_237 = arith.muli %add3A_224, %mul3A_236 : i32
      %add3A_238 = arith.addi %mul3A_2, %mul3A_237 : i32
      %dma_start3A_239 = arith.constant 3 : i32
      %dma_start3A_240 = arith.constant 0 : i32
      %dma_start3A_241 = arith.constant 0 : i32
      %dma_start3A_242 = tpu.memref_slice %arg6[%dma_start3A_239, %dma_start3A_240, %dma_start3A_241] : memref<4x40x512xf32, #tpu.memory_space<vmem>> -> memref<1x40x512xf32, #tpu.memory_space<vmem>>
      %dma_start3A_243 = tpu.memref_squeeze %dma_start3A_242 : memref<1x40x512xf32, #tpu.memory_space<vmem>> -> memref<40x512xf32, #tpu.memory_space<vmem>>
      %dma_start3A_244 = arith.constant 0 : i32
      %dma_start3A_245 = tpu.memref_slice %arg4[%add3A_238, %dma_start3A_244] : memref<204800x512xf32, #tpu.memory_space<hbm>> -> memref<40x512xf32, #tpu.memory_space<hbm>>
      %dma_start3A_246 = arith.constant 0 : i32
      %dma_start3A_247 = tpu.memref_slice %arg4[%add3A_238, %dma_start3A_246] : memref<204800x512xf32, #tpu.memory_space<hbm>> -> memref<40x512xf32, #tpu.memory_space<hbm>>
      %dma_start3A_248 = arith.constant 0 : i32
      %dma_start3A_249 = arith.constant 0 : i32
      %dma_start3A_250 = tpu.memref_slice %arg6[%dma_start3A_239, %dma_start3A_248, %dma_start3A_249] : memref<4x40x512xf32, #tpu.memory_space<vmem>> -> memref<1x40x512xf32, #tpu.memory_space<vmem>>
      %dma_start3A_251 = tpu.memref_squeeze %dma_start3A_250 : memref<1x40x512xf32, #tpu.memory_space<vmem>> -> memref<40x512xf32, #tpu.memory_space<vmem>>
      tpu.enqueue_dma source(%dma_start3A_251 : memref<40x512xf32, #tpu.memory_space<vmem>>) target(%dma_start3A_247 : memref<40x512xf32, #tpu.memory_space<hbm>>) target_semaphore(%arg8 : memref<!tpu.dma_semaphore, #tpu.memory_space<semaphore_mem>>)
      %add3A_252 = arith.constant 4 : i32
      %add3A_253 = arith.addi %add3A_224, %add3A_252 : i32
      %sub3A_254 = arith.constant 1 : i32
      %sub3A_255 = arith.subi %add3A_253, %sub3A_254 : i32
      %lt3A_256 = arith.constant 160 : i32
      %lt3A_257 = arith.cmpi slt, %sub3A_255, %lt3A_256 : i32
      %convert_element_type3A_258 = arith.extui %lt3A_257 : i1 to i32
      %cond3A_259 = arith.constant 2 : i32
      %cond3A_260 = arith.constant 0 : i32
      %cond3A_261 = arith.cmpi ne, %convert_element_type3A_258, %cond3A_260 : i32
      scf.if %cond3A_261 {
        %sub3A_262 = arith.constant 1 : i32
        %sub3A_263 = arith.subi %add3A_224, %sub3A_262 : i32
        %mul3A_264 = arith.constant 40 : i32
        %mul3A_265 = arith.muli %sub3A_263, %mul3A_264 : i32
        %add3A_266 = arith.addi %mul3A_2, %mul3A_265 : i32
        %dma_wait3A_267 = arith.constant 2 : i32
        %dma_wait3A_268 = arith.constant 0 : i32
        %dma_wait3A_269 = arith.constant 0 : i32
        %dma_wait3A_270 = tpu.memref_slice %arg6[%dma_wait3A_267, %dma_wait3A_268, %dma_wait3A_269] : memref<4x40x512xf32, #tpu.memory_space<vmem>> -> memref<1x40x512xf32, #tpu.memory_space<vmem>>
        %dma_wait3A_271 = tpu.memref_squeeze %dma_wait3A_270 : memref<1x40x512xf32, #tpu.memory_space<vmem>> -> memref<40x512xf32, #tpu.memory_space<vmem>>
        %dma_wait3A_272 = arith.constant 0 : i32
        %dma_wait3A_273 = tpu.memref_slice %arg4[%add3A_266, %dma_wait3A_272] : memref<204800x512xf32, #tpu.memory_space<hbm>> -> memref<40x512xf32, #tpu.memory_space<hbm>>
        %dma_wait3A_274 = arith.constant 0 : i32
        %dma_wait3A_275 = tpu.memref_slice %arg4[%add3A_266, %dma_wait3A_274] : memref<204800x512xf32, #tpu.memory_space<hbm>> -> memref<40x512xf32, #tpu.memory_space<hbm>>
        %dma_wait3A_276 = arith.constant 0 : i32
        %dma_wait3A_277 = arith.constant 0 : i32
        %dma_wait3A_278 = tpu.memref_slice %arg6[%dma_wait3A_267, %dma_wait3A_276, %dma_wait3A_277] : memref<4x40x512xf32, #tpu.memory_space<vmem>> -> memref<1x40x512xf32, #tpu.memory_space<vmem>>
        %dma_wait3A_279 = tpu.memref_squeeze %dma_wait3A_278 : memref<1x40x512xf32, #tpu.memory_space<vmem>> -> memref<40x512xf32, #tpu.memory_space<vmem>>
        tpu.wait_dma2 semaphore(%arg8 : memref<!tpu.dma_semaphore, #tpu.memory_space<semaphore_mem>>) src(%dma_wait3A_279 : memref<40x512xf32, #tpu.memory_space<vmem>>) dst(%dma_wait3A_275 : memref<40x512xf32, #tpu.memory_space<hbm>>)
        %dma_start3A_280 = arith.constant 0 : i32
        %dma_start3A_281 = arith.constant 0 : i32
        %dma_start3A_282 = tpu.memref_slice %arg6[%cond3A_259, %dma_start3A_280, %dma_start3A_281] : memref<4x40x512xf32, #tpu.memory_space<vmem>> -> memref<1x40x512xf32, #tpu.memory_space<vmem>>
        %dma_start3A_283 = tpu.memref_squeeze %dma_start3A_282 : memref<1x40x512xf32, #tpu.memory_space<vmem>> -> memref<40x512xf32, #tpu.memory_space<vmem>>
        %dma_start3A_284 = arith.constant 0 : i32
        %dma_start3A_285 = tpu.memref_slice %arg5[%sub3A_255, %dma_start3A_284] : memref<160x40xi32, #tpu.memory_space<vmem>> -> memref<1x40xi32, #tpu.memory_space<vmem>>
        %dma_start3A_286 = tpu.memref_squeeze %dma_start3A_285 : memref<1x40xi32, #tpu.memory_space<vmem>> -> memref<40xi32, #tpu.memory_space<vmem>>
        %dma_start3A_287 = arith.constant 0 : i32
        %dma_start3A_288 = arith.constant 0 : i32
        %dma_start3A_289 = tpu.memref_slice %arg3[%dma_start3A_287, %dma_start3A_288] : memref<8192x512xf32, #tpu.memory_space<hbm>> -> memref<8192x512xf32, #tpu.memory_space<hbm>>
        tpu.enqueue_indirect_dma source(%dma_start3A_289 : memref<8192x512xf32, #tpu.memory_space<hbm>>) target(%dma_start3A_283 : memref<40x512xf32, #tpu.memory_space<vmem>>) offsets(%dma_start3A_286 : memref<40xi32, #tpu.memory_space<vmem>>) semaphore(%arg7 : memref<!tpu.dma_semaphore, #tpu.memory_space<semaphore_mem>>)
      } else {
      }
    }
    %scan3A_41 = arith.constant 40 : i32
    %add3A_42 = arith.constant 6240 : i32
    %add3A_43 = arith.addi %mul3A_2, %add3A_42 : i32
    %dma_wait3A = arith.constant 0 : i32
    %dma_wait3A_44 = arith.constant 0 : i32
    %dma_wait3A_45 = arith.constant 0 : i32
    %dma_wait3A_46 = tpu.memref_slice %arg6[%dma_wait3A, %dma_wait3A_44, %dma_wait3A_45] : memref<4x40x512xf32, #tpu.memory_space<vmem>> -> memref<1x40x512xf32, #tpu.memory_space<vmem>>
    %dma_wait3A_47 = tpu.memref_squeeze %dma_wait3A_46 : memref<1x40x512xf32, #tpu.memory_space<vmem>> -> memref<40x512xf32, #tpu.memory_space<vmem>>
    %dma_wait3A_48 = arith.constant 0 : i32
    %dma_wait3A_49 = tpu.memref_slice %arg4[%add3A_43, %dma_wait3A_48] : memref<204800x512xf32, #tpu.memory_space<hbm>> -> memref<40x512xf32, #tpu.memory_space<hbm>>
    %dma_wait3A_50 = arith.constant 0 : i32
    %dma_wait3A_51 = tpu.memref_slice %arg4[%add3A_43, %dma_wait3A_50] : memref<204800x512xf32, #tpu.memory_space<hbm>> -> memref<40x512xf32, #tpu.memory_space<hbm>>
    %dma_wait3A_52 = arith.constant 0 : i32
    %dma_wait3A_53 = arith.constant 0 : i32
    %dma_wait3A_54 = tpu.memref_slice %arg6[%dma_wait3A, %dma_wait3A_52, %dma_wait3A_53] : memref<4x40x512xf32, #tpu.memory_space<vmem>> -> memref<1x40x512xf32, #tpu.memory_space<vmem>>
    %dma_wait3A_55 = tpu.memref_squeeze %dma_wait3A_54 : memref<1x40x512xf32, #tpu.memory_space<vmem>> -> memref<40x512xf32, #tpu.memory_space<vmem>>
    tpu.wait_dma2 semaphore(%arg8 : memref<!tpu.dma_semaphore, #tpu.memory_space<semaphore_mem>>) src(%dma_wait3A_55 : memref<40x512xf32, #tpu.memory_space<vmem>>) dst(%dma_wait3A_51 : memref<40x512xf32, #tpu.memory_space<hbm>>)
    %add3A_56 = arith.constant 6280 : i32
    %add3A_57 = arith.addi %mul3A_2, %add3A_56 : i32
    %dma_wait3A_58 = arith.constant 1 : i32
    %dma_wait3A_59 = arith.constant 0 : i32
    %dma_wait3A_60 = arith.constant 0 : i32
    %dma_wait3A_61 = tpu.memref_slice %arg6[%dma_wait3A_58, %dma_wait3A_59, %dma_wait3A_60] : memref<4x40x512xf32, #tpu.memory_space<vmem>> -> memref<1x40x512xf32, #tpu.memory_space<vmem>>
    %dma_wait3A_62 = tpu.memref_squeeze %dma_wait3A_61 : memref<1x40x512xf32, #tpu.memory_space<vmem>> -> memref<40x512xf32, #tpu.memory_space<vmem>>
    %dma_wait3A_63 = arith.constant 0 : i32
    %dma_wait3A_64 = tpu.memref_slice %arg4[%add3A_57, %dma_wait3A_63] : memref<204800x512xf32, #tpu.memory_space<hbm>> -> memref<40x512xf32, #tpu.memory_space<hbm>>
    %dma_wait3A_65 = arith.constant 0 : i32
    %dma_wait3A_66 = tpu.memref_slice %arg4[%add3A_57, %dma_wait3A_65] : memref<204800x512xf32, #tpu.memory_space<hbm>> -> memref<40x512xf32, #tpu.memory_space<hbm>>
    %dma_wait3A_67 = arith.constant 0 : i32
    %dma_wait3A_68 = arith.constant 0 : i32
    %dma_wait3A_69 = tpu.memref_slice %arg6[%dma_wait3A_58, %dma_wait3A_67, %dma_wait3A_68] : memref<4x40x512xf32, #tpu.memory_space<vmem>> -> memref<1x40x512xf32, #tpu.memory_space<vmem>>
    %dma_wait3A_70 = tpu.memref_squeeze %dma_wait3A_69 : memref<1x40x512xf32, #tpu.memory_space<vmem>> -> memref<40x512xf32, #tpu.memory_space<vmem>>
    tpu.wait_dma2 semaphore(%arg8 : memref<!tpu.dma_semaphore, #tpu.memory_space<semaphore_mem>>) src(%dma_wait3A_70 : memref<40x512xf32, #tpu.memory_space<vmem>>) dst(%dma_wait3A_66 : memref<40x512xf32, #tpu.memory_space<hbm>>)
    %add3A_71 = arith.constant 6320 : i32
    %add3A_72 = arith.addi %mul3A_2, %add3A_71 : i32
    %dma_wait3A_73 = arith.constant 2 : i32
    %dma_wait3A_74 = arith.constant 0 : i32
    %dma_wait3A_75 = arith.constant 0 : i32
    %dma_wait3A_76 = tpu.memref_slice %arg6[%dma_wait3A_73, %dma_wait3A_74, %dma_wait3A_75] : memref<4x40x512xf32, #tpu.memory_space<vmem>> -> memref<1x40x512xf32, #tpu.memory_space<vmem>>
    %dma_wait3A_77 = tpu.memref_squeeze %dma_wait3A_76 : memref<1x40x512xf32, #tpu.memory_space<vmem>> -> memref<40x512xf32, #tpu.memory_space<vmem>>
    %dma_wait3A_78 = arith.constant 0 : i32
    %dma_wait3A_79 = tpu.memref_slice %arg4[%add3A_72, %dma_wait3A_78] : memref<204800x512xf32, #tpu.memory_space<hbm>> -> memref<40x512xf32, #tpu.memory_space<hbm>>
    %dma_wait3A_80 = arith.constant 0 : i32
    %dma_wait3A_81 = tpu.memref_slice %arg4[%add3A_72, %dma_wait3A_80] : memref<204800x512xf32, #tpu.memory_space<hbm>> -> memref<40x512xf32, #tpu.memory_space<hbm>>
    %dma_wait3A_82 = arith.constant 0 : i32
    %dma_wait3A_83 = arith.constant 0 : i32
    %dma_wait3A_84 = tpu.memref_slice %arg6[%dma_wait3A_73, %dma_wait3A_82, %dma_wait3A_83] : memref<4x40x512xf32, #tpu.memory_space<vmem>> -> memref<1x40x512xf32, #tpu.memory_space<vmem>>
    %dma_wait3A_85 = tpu.memref_squeeze %dma_wait3A_84 : memref<1x40x512xf32, #tpu.memory_space<vmem>> -> memref<40x512xf32, #tpu.memory_space<vmem>>
    tpu.wait_dma2 semaphore(%arg8 : memref<!tpu.dma_semaphore, #tpu.memory_space<semaphore_mem>>) src(%dma_wait3A_85 : memref<40x512xf32, #tpu.memory_space<vmem>>) dst(%dma_wait3A_81 : memref<40x512xf32, #tpu.memory_space<hbm>>)
    %add3A_86 = arith.constant 6360 : i32
    %add3A_87 = arith.addi %mul3A_2, %add3A_86 : i32
    %dma_wait3A_88 = arith.constant 3 : i32
    %dma_wait3A_89 = arith.constant 0 : i32
    %dma_wait3A_90 = arith.constant 0 : i32
    %dma_wait3A_91 = tpu.memref_slice %arg6[%dma_wait3A_88, %dma_wait3A_89, %dma_wait3A_90] : memref<4x40x512xf32, #tpu.memory_space<vmem>> -> memref<1x40x512xf32, #tpu.memory_space<vmem>>
    %dma_wait3A_92 = tpu.memref_squeeze %dma_wait3A_91 : memref<1x40x512xf32, #tpu.memory_space<vmem>> -> memref<40x512xf32, #tpu.memory_space<vmem>>
    %dma_wait3A_93 = arith.constant 0 : i32
    %dma_wait3A_94 = tpu.memref_slice %arg4[%add3A_87, %dma_wait3A_93] : memref<204800x512xf32, #tpu.memory_space<hbm>> -> memref<40x512xf32, #tpu.memory_space<hbm>>
    %dma_wait3A_95 = arith.constant 0 : i32
    %dma_wait3A_96 = tpu.memref_slice %arg4[%add3A_87, %dma_wait3A_95] : memref<204800x512xf32, #tpu.memory_space<hbm>> -> memref<40x512xf32, #tpu.memory_space<hbm>>
    %dma_wait3A_97 = arith.constant 0 : i32
    %dma_wait3A_98 = arith.constant 0 : i32
    %dma_wait3A_99 = tpu.memref_slice %arg6[%dma_wait3A_88, %dma_wait3A_97, %dma_wait3A_98] : memref<4x40x512xf32, #tpu.memory_space<vmem>> -> memref<1x40x512xf32, #tpu.memory_space<vmem>>
    %dma_wait3A_100 = tpu.memref_squeeze %dma_wait3A_99 : memref<1x40x512xf32, #tpu.memory_space<vmem>> -> memref<40x512xf32, #tpu.memory_space<vmem>>
    tpu.wait_dma2 semaphore(%arg8 : memref<!tpu.dma_semaphore, #tpu.memory_space<semaphore_mem>>) src(%dma_wait3A_100 : memref<40x512xf32, #tpu.memory_space<vmem>>) dst(%dma_wait3A_96 : memref<40x512xf32, #tpu.memory_space<hbm>>)
    return
  }
}

</mosaic_0001>

<sc_bundles>
// kernel: kernel.3.cloned.1.call-start
scs
__scs_entry_jumppad:
0x0: {  	(pc) =	sbr.rel $0x88, $3  }
0x1: {  	(tag) =	ssettag $0x0;
	lr =	simm.s32 $0x1  }
0x2: {  	[smem:$0x3F9F] =	sst lr;
	_ =	strace $0xD0000000  }
0x3: {  	_ = 	snop  }
0x4: {  	_ = 	snop  }
0x5: {  	_ = 	snop  }
0x6: {  	_ = 	snop  }
0x7: {  	_ = 	snop  }
__scs_overlays_trampoline_lowered:
0x8: {  	[smem:$0x3FAE] =	sst s0  }
0x9: {  	[smem:$0x3FAF] =	sst s1  }
0xa: {  	[smem:$0x3FB0] =	sst s2  }
0xb: {  	[smem:$0x3FB1] =	sst s3  }
0xc: {  	[smem:$0x3FB2] =	sst s4  }
0xd: {  	[smem:$0x3FB3] =	sst s5  }
0xe: {  	[smem:$0x3FB4] =	sst s6  }
0xf: {  	[smem:$0x3FB5] =	sst s7  }
0x10: {  	[smem:$0x3FB6] =	sst s8  }
0x11: {  	[smem:$0x3FB7] =	sst s9;
	s0 =	simm.s32 @!p0 $0x0  }
0x12: {  	s1 =	sld [smem:$0x3F9D];
	s0 =	simm.s32 @p0 $0x1  }
0x13: {  	[smem:$0x3FB8] =	sst s0;
	s0 =	simm.s32 @!p1 $0x0  }
0x14: {  	s2 =	sld [smem:$0x3F9C];
	s0 =	simm.s32 @p1 $0x1  }
0x15: {  	[smem:$0x3FB9] =	sst s0;
	s0 =	simm.s32 @!p2 $0x0  }
0x16: {  	s3 =	sld [smem:$0x3FDB];
	s0 =	simm.s32 @p2 $0x1  }
0x17: {  	s4 =	simm.s32 $0x1BF5;
	[smem:$0x3FBB] =	sst s0  }
0x18: {  	s0 =	sld [smem:$0x3F9E];
	_ =	swait.ge [sflag:s4], $0x0  }
0x19: {  	s7 =	sld [smem:$0x3F9F]  }
0x1a: {  	s8 =	sadd.s32 $0xFFFFE003, lr  }
0x1b: {  	s9 =	sadd.s32 $0xFFFFFEF7, lr;
	s5 =	simm.s32 $0xFFFFFFFF;
	p2 =	slt.u32 s8, $0xFFFFF086  }
0x1c: {  	p1 =	slt.u32 s9, $0xF7A;
	s5 =	simm.s32 @!p2 $0x0  }
0x1d: {  	s5 =	simm.s32 @p1 $0x1;
	p0 =	seq.s32 s7, s2  }
0x1e: {  	s7 =	smul.u32 @!p0 $0xF7A, s2;
	p2 =	seq.s32 @!p0 s5, $0x0  }
0x1f: {  	s9 =	smul.u32 $0xF7A, s1;
	s8 =	simm.s32 @!p0 $0x1BF5;
	p2 =	por !p2, p0  }
0x20: {  	[sflag:s8] =	ssyncset.s32 @!p0 $0xFFFFF086;
	s6 =	sadd.s32 @!p0 s3, s7;
	s7 =	simm.s32 @!p0 $0x108  }
0x21: {  	s3 =	sadd.s32 s3, s9;
	s6 =	sadd.s32 @!p0 $0x88, s6;
	s7 =	simm.s32 @p2 $0x1082  }
0x22: {  	[simem:s7], [sflag:s8] =	dma.local @!p0 [hbm:s6], $0xF7A  }
0x23: {  	s9 =	sor.u32 $0xD0000000, s2;
	s6 =	simm.s32 $0x108;
	_ =	swait.ge @!p0 [sflag:s8], $0x0  }
0x24: {  	s3 =	sadd.s32 $0x88, s3;
	s6 =	simm.s32 @!p1 $0x1082;
	[sflag:s4] =	ssyncset.s32 $0xFFFFF086  }
0x25: {  	[simem:s6], [sflag:s4] =	dma.local [hbm:s3], $0xF7A  }
0x26: {  	[smem:$0x3F9F] =	sst s1;
	(tag) =	ssettag s2;
	_ =	strace s9  }
0x27: {  	s1 =	sld [smem:$0x3FAF]  }
0x28: {  	s2 =	sld [smem:$0x3FB0]  }
0x29: {  	s4 =	sld [smem:$0x3FB2]  }
0x2a: {  	p0 =	seq.s32 s5, $0x0;
	s5 =	sld [smem:$0x3FB3]  }
0x2b: {  	s6 =	sld [smem:$0x3FB4]  }
0x2c: {  	s7 =	sld [smem:$0x3FB5]  }
0x2d: {  	s3 =	simm.s32 $0x108;
	s8 =	sld [smem:$0x3FB6]  }
0x2e: {  	s3 =	simm.s32 @!p0 $0x1082;
	s9 =	sld [smem:$0x3FB7]  }
0x2f: {  	lr =	sadd.s32 s0, s3;
	s0 =	sld [smem:$0x3FAE]  }
0x30: {  	s3 =	sld [smem:$0x3FB1]  }
0x31: {  	[smem:$0x3FBA] =	sst s10  }
0x32: {  	s10 =	sld [smem:$0x3FB8];
	_ =	sdelay $0x3  }
0x33: {  	p0 =	seq.s32 s10, $0x1;
	s10 =	sld [smem:$0x3FBA];
	_ =	sdelay $0x3  }
0x34: {  	[smem:$0x3FBA] =	sst s10  }
0x35: {  	s10 =	sld [smem:$0x3FB9];
	_ =	sdelay $0x3  }
0x36: {  	p1 =	seq.s32 s10, $0x1;
	s10 =	sld [smem:$0x3FBA];
	_ =	sdelay $0x3  }
0x37: {  	[smem:$0x3FBA] =	sst s10  }
0x38: {  	s10 =	sld [smem:$0x3FBB]  }
0x39: {  	_ = 	snop;
	(pc) =	sbr.ind lr, $3  }
0x3a: {  	_ = 	snop  }
0x3b: {  	_ = 	snop  }
0x3c: {  	p2 =	seq.s32 s10, $0x1;
	s10 =	sld [smem:$0x3FBA]  }
0x3d: {  	_ =	shalt  }
0x3e: {  	_ =	shalt  }
0x3f: {  	_ =	shalt  }
0x40: {  	_ =	shalt  }
0x41: {  	_ =	shalt  }
0x42: {  	_ =	shalt  }
0x43: {  	_ =	shalt  }
0x44: {  	_ =	shalt  }
0x45: {  	_ =	shalt  }
0x46: {  	_ =	shalt  }
0x47: {  	_ =	shalt  }
0x48: {  	_ =	shalt  }
0x49: {  	_ =	shalt  }
0x4a: {  	_ =	shalt  }
0x4b: {  	_ =	shalt  }
0x4c: {  	_ =	shalt  }
0x4d: {  	_ =	shalt  }
0x4e: {  	_ =	shalt  }
0x4f: {  	_ =	shalt  }
0x50: {  	_ =	shalt  }
0x51: {  	_ =	shalt  }
0x52: {  	_ =	shalt  }
0x53: {  	_ =	shalt  }
0x54: {  	_ =	shalt  }
0x55: {  	_ =	shalt  }
0x56: {  	_ =	shalt  }
0x57: {  	_ =	shalt  }
0x58: {  	_ =	shalt  }
0x59: {  	_ =	shalt  }
0x5a: {  	_ =	shalt  }
0x5b: {  	_ =	shalt  }
0x5c: {  	_ =	shalt  }
0x5d: {  	_ =	shalt  }
0x5e: {  	_ =	shalt  }
0x5f: {  	_ =	shalt  }
0x60: {  	_ =	shalt  }
0x61: {  	_ =	shalt  }
0x62: {  	_ =	shalt  }
0x63: {  	_ =	shalt  }
0x64: {  	_ =	shalt  }
0x65: {  	_ =	shalt  }
0x66: {  	_ =	shalt  }
0x67: {  	_ =	shalt  }
0x68: {  	_ =	shalt  }
0x69: {  	_ =	shalt  }
0x6a: {  	_ =	shalt  }
0x6b: {  	_ =	shalt  }
0x6c: {  	_ =	shalt  }
0x6d: {  	_ =	shalt  }
0x6e: {  	_ =	shalt  }
0x6f: {  	_ =	shalt  }
0x70: {  	_ =	shalt  }
0x71: {  	_ =	shalt  }
0x72: {  	_ =	shalt  }
0x73: {  	_ =	shalt  }
0x74: {  	_ =	shalt  }
0x75: {  	_ =	shalt  }
0x76: {  	_ =	shalt  }
0x77: {  	_ =	shalt  }
0x78: {  	_ =	shalt  }
0x79: {  	_ =	shalt  }
0x7a: {  	_ =	shalt  }
0x7b: {  	_ =	shalt  }
0x7c: {  	_ =	shalt  }
0x7d: {  	_ =	shalt  }
0x7e: {  	_ =	shalt  }
0x7f: {  	_ =	shalt  }
0x80: {  	_ =	shalt  }
0x81: {  	_ =	shalt  }
0x82: {  	_ =	shalt  }
0x83: {  	_ =	shalt  }
0x84: {  	_ =	shalt  }
0x85: {  	_ =	shalt  }
0x86: {  	_ =	shalt  }
0x87: {  	_ =	shalt  }
.Lfunc_end0:
.L_simem_size_0:
called_computation_lowered:
.L_overlay_start_0:
0x88: {  	s2 =	sld [smem:$0x3FD9]  }
0x89: {  	s3 =	sld [smem:$0x3FFE];
	_ =	sdelay $0x1  }
0x8a: {  	s1 =	srdreg.scid  }
0x8b: {  	s0 =	sand.u32 $0x1, s1  }
0x8c: {  	s17 =	sshll.u32 s0, $0xA;
	s2 =	sadd.s32 s3, s2  }
0x8d: {  	s2 =	sadd.s32 s2, s17  }
0x8e: {  	[smem:$0x3FC6] =	sst s2  }
0x8f: {  	_ = 	snop  }
0x90: {  	s2 =	sld [smem:$0x3FC8]  }
0x91: {  	s18 =	sld [smem:$0x3FD0];
	(tm) =	ssettm $0x1  }
0x92: {  	s4 =	sld [smem:$0x3FFB];
	_ =	sdelay $0x3  }
0x93: {  	_ =	strace s4  }
0x94: {  	s4 =	sld [smem:$0x3FFC];
	_ =	sdelay $0x3  }
0x95: {  	_ =	strace s4  }
0x96: {  	s4 =	sld [smem:$0x3FFD];
	_ =	sdelay $0x3  }
0x97: {  	_ =	strace s4  }
0x98: {  	_ =	strace $0x8FFFFFFF  }
0x99: {  	s19 =	sld [smem:$0x3FDB];
	_ =	sdelay $0x1  }
0x9a: {  	s5 =	simm.s32 $_scs_section_size  }
0x9b: {  	s6 =	simm.s32 $_size__tile_overlayer_lowered;
	s7 =	simm.s32 $_tile_overlayer_lowered  }
0x9c: {  	s22 =	simm.s32 $0x1BFF;
	s21 =	sshll.u32 s7, $0x1;
	s4 =	sadd.s32 s5, s19  }
0x9d: {  	s8 =	simm.s32 $0x0;
	s20 =	sshll.u32 s6, $0x1;
	s6 =	sadd.s32 s21, s4  }
0x9e: {  	[timem:s8], [sflag:s22] =	dma.local [hbm:s6], s20  }
0x9f: {  	_ =	swait.ge [sflag:s22], s20  }
0xa0: {  	s5 =	ssub.s32 $0x0, s20;
	[sflag:s22] =	ssyncset.done $0x0  }
0xa1: {  	[sflag:s22] =	ssyncadd.s32 s5;
	_ =	sdelay $0x1  }
0xa2: {  	s23 =	simm.s32 $0x1B8B  }
0xa3: {  	_ =	swait.ge [sflag:s23], $0x1  }
0xa4: {  	[sflag:s23] =	ssyncset.done $0x0  }
0xa5: {  	s25 =	simm.s32 $0x1B8E;
	s24 =	sld [smem:$0x3FFE];
	[sflag:s23] =	ssyncadd.s32 $0xFFFFFFFF  }
0xa6: {  	s26 =	simm.s32 $execute0_lowered;
	[smem:$0x3FD2] =	sst s25  }
0xa7: {  	s6 =	sshll.u32 s26, $0x1;
	_ =	strace $0x80000046;
	[dreg:$0x1] =	wrdreg $0xFFFFFFFF  }
0xa8: {  	s28 =	simm.s32 $_size_execute0_lowered;
	s4 =	sadd.s32 s4, s6;
	[dreg:$0x0] =	wrdreg $0x0  }
0xa9: {  	s6 =	sshll.u32 s28, $0x1;
	[dreg:$0x2] =	wrdreg s4  }
0xaa: {  	[dreg:$0x3] =	wrdreg s6  }
0xab: {  	[dreg:$0x4] =	wrdreg $0xC0  }
0xac: {  	_ =	task [dreg:s8], $0x5FFFF  }
0xad: {  	[dreg:$0x1] =	wrdreg $0xFFFFFFFF  }
0xae: {  	[dreg:$0x0] =	wrdreg $0x60  }
0xaf: {  	[dreg:$0x2] =	wrdreg s24  }
0xb0: {  	[dreg:$0x3] =	wrdreg s2  }
0xb1: {  	[dreg:$0x4] =	wrdreg s18  }
0xb2: {  	[dreg:$0x5] =	wrdreg $0x9  }
0xb3: {  	_ =	task.clear_ibuf [dreg:s8], $0x6FFFF;
	_ =	strace $0x90000046  }
0xb4: {  	s29 =	simm.s32 $0x9;
	_ =	strace $0x80000048  }
0xb5: {  	_ =	swait.ge [sflag:s29], $0x1  }
0xb6: {  	[sflag:s29] =	ssyncadd.s32 $0xFFFFFFFF  }
0xb7: {  	_ =	strace $0x90000048  }
0xb8: {  	_ =	sfence  }
0xb9: {  	s30 =	sld [smem:$0x0];
	_ =	sdelay $0x2  }
0xba: {  	s31 =	sshll.u32 s1, $0xD;
	s1 =	sshrl.u32 s1, $0x2  }
0xbb: {  	s3 =	sand.u32 $0x4000, s31;
	s1 =	sadd.s32 s1, s30  }
0xbc: {  	s0 =	sor.u32 s3, s0;
	s1 =	sshll.u32 s1, $0x11  }
0xbd: {  	s0 =	sor.u32 s1, s0  }
0xbe: {  	s0 =	sadd.s32 $0x8F2B, s0  }
0xbf: {  	[sflag:s0] =	ssyncadd.remote.s32 $0x1  }
0xc0: {  	_ =	sfence.sel $0xFFFF  }
0xc1: {  	[dreg:$0x0] =	wrdreg $0xFFFFFFFF;
	(pc) =	sbr.abs _section_cstart, $3  }
0xc2: {  	[dreg:$0x1] =	wrdreg $0xFFFFFFFF  }
0xc3: {  	_ =	task.clear_ibuf [dreg:s8], $0x2FFFF;
	_ =	strace $0x9FFFFFFF  }
0xc4: {  	(tm) =	ssettm $0x7FFFFFFF  }
0xc5: {  	_ =	shalt  }
tec
execute0_lowered:
.L_overlay_start_1:
0x0: {  	(tag) =	ssettag $0x1  }
0x1: {  	s0 =	rddreg [dreg:$0x0]  }
0x2: {  	s2 =	rddreg [dreg:$0x1];
	s1 =	srdreg.scid  }
0x3: {  	s10 =	stileid.u32;
	s4 =	rddreg [dreg:$0x2]  }
0x4: {  	s3 =	simm.s32 $0x0;
	s20 =	simm.s32 $0xA000;
	s28 =	simm.s32 $0xD800  }
0x5: {  	s29 =	simm.s32 $0xE000;
	s30 =	simm.s32 $0xE800;
	s31 =	simm.s32 $0xF000  }
0x6: {  	s11 =	simm.s32 $0x12000;
	s12 =	simm.s32 $0x12800;
	s13 =	simm.s32 $0x13000  }
0x7: {  	s14 =	simm.s32 $0x13800;
	s15 =	simm.s32 $0x1;
	s16 =	simm.s32 $0x18000  }
0x8: {  	s17 =	simm.s32 $0x18800;
	s18 =	simm.s32 $0x14000;
	s19 =	simm.s32 $0x2  }
0x9: {  	s1 =	sand.u32 $0x1, s1;
	s5 =	sshll.u32 s10, $0x1;
	[smem:$0x7FF] =	sst s3  }
0xa: {  	s23 =	smul.u32 $0xC8000, s10;
	s10 =	simm.s32 $0x5000;
	s5 =	sor.u32 s1, s5  }
0xb: {  	s7 =	ssub.s32 $0x2, s1;
	_ =	strace $0x80000047;
	s24 =	smul.u32 $0x64000, s1  }
0xc: {  	s1 =	simm.s32 $0xF800;
	s6 =	smul.u32 $0xA00, s5;
	s8 =	sshrl.u32 s7, $0x1  }
0xd: {  	s9 =	smul.u32 $0x64000, s5;
	s5 =	sadd.s32 $0x100, s2;
	s22 =	ssub.s32 s7, s8  }
.Ltmp0:
0xe: {  	s0 =	sadd.s32 s6, s0;
	s25 =	smax.u32 s22, $0x1;
	(pc) =	sbr.rel .LBB2_1-.Ltmp0, $4  }
0xf: {  	s26 =	sadd.s32 s4, s9;
	s4 =	sadd.s32 s23, s4;
	s6 =	simm.s32 $0x11000  }
0x10: {  	v2 =	vlaneseq.u32;
	s9 =	simm.s32 $0x11800;
	s22 =	simm.s32 $0x0;
	s0 =	sadd.s32 $0x400, s0  }
0x11: {  	vm0 =	vmmov $0xffff;
	v1 =	vshrl.u32 v2, $0x3;
	[dreg:$0x5] =	wrdreg s25;
	s7 =	sadd.s32 $0x62C00, s26;
	s8 =	sadd.s32 s24, s4  }
0x12: {  	v0 =	vand.u32 $0x7, v2;
	v2 =	vor.u32 $0x8, v2;
	v1 =	vmul.u32 $0x8, v1;
	s4 =	simm.s32 $0x10800;
	[dreg:$0x4] =	wrdreg s0;
	s0 =	simm.s32 $0x10000  }
.LBB2_7:
0x13: {  	_ =	swait.ge [sflag:s19], $0x5000  }
0x14: {  	[sflag:s19] =	ssyncset.done $0x0  }
0x15: {  	[sflag:s19] =	ssyncadd.s32 $0xFFFFB000  }
0x16: {  	_ =	swait.ge [sflag:s19], $0x5000  }
0x17: {  	[sflag:s19] =	ssyncset.done $0x0  }
0x18: {  	[sflag:s19] =	ssyncadd.s32 $0xFFFFB000  }
0x19: {  	_ =	swait.ge [sflag:s19], $0x5000  }
0x1a: {  	s22 =	rddreg [dreg:$0x6]  }
0x1b: {  	s21 =	rddreg [dreg:$0x5];
	s22 =	sadd.s32 $0x1, s22  }
0x1c: {  	p0 =	sne.s32 s22, s21  }
.Ltmp1:
0x1d: {  	_ = 	snop;
	(pc) =	sbr.rel @!p0 .LBB2_8-.Ltmp1, $3  }
0x1e: {  	_ =	sdelay $0x1  }
0x1f: {  	[sflag:s19] =	ssyncset.done $0x0  }
0x20: {  	[sflag:s19] =	ssyncadd.s32 $0xFFFFB000  }
.LBB2_1:
0x21: {  	[dreg:$0x6] =	wrdreg s22  }
0x22: {  	s21 =	rddreg [dreg:$0x4];
	s26 =	simm.s32 $0x3  }
0x23: {  	[tilespmem:s3], [sflag:$0x3] =	stream.linear.gather [hbm4b:s21+s3], $0x5000, $0x38;
	[tilespmem:$0x19000] =	vst v63  }
0x24: {  	_ =	swait.ge [sflag:s26], $0x5000  }
0x25: {  	[sflag:s26] =	ssyncset.done $0x0  }
0x26: {  	[sflag:s26] =	ssyncadd.s32 $0xFFFFB000  }
0x27: {  	v3 =	vld [tilespmem:$0x0];
	_ =	sdelay $0x4  }
0x28: {  	v4 =	vshll.u32 v3, $0x2  }
0x29: {  	v3 =	vand.u32 $0x7, v3;
	v4 =	vand.u32 $0xFFFFFFE0, v4  }
0x2a: {  	v3 =	vor.u32 v3, v4  }
0x2b: {  	v4 =	vperm.xlane v3, v0;
	_ =	sdelay $0x1  }
0x2c: {  	v4 =	vadd.s32 v1, v4;
	_ =	sdelay $0x1  }
0x2d: {  	v3 =	vperm.xlane v3, v2;
	_ =	sdelay $0x1  }
0x2e: {  	v3 =	vadd.s32 v1, v3  }
0x2f: {  	[tilespmem:s10], [sflag:$0x1] =	stream.indirect_vreg.gather [hbm4b:s2+s3], $0x80, v4, vm0, $0xb8;
	[tilespmem:$0x19000] =	vst v63  }
0x30: {  	s22 =	simm.s32 $0x5800  }
0x31: {  	[tilespmem:s22], [sflag:$0x1] =	stream.indirect_vreg.gather [hbm4b:s5+s3], $0x80, v4, vm0, $0xb8;
	[tilespmem:$0x19000] =	vst v63  }
0x32: {  	s23 =	simm.s32 $0x6000  }
0x33: {  	[tilespmem:s23], [sflag:$0x1] =	stream.indirect_vreg.gather [hbm4b:s2+s3], $0x80, v3, vm0, $0xb8;
	[tilespmem:$0x19000] =	vst v63  }
0x34: {  	s24 =	simm.s32 $0x6800  }
0x35: {  	[tilespmem:s24], [sflag:$0x1] =	stream.indirect_vreg.gather [hbm4b:s5+s3], $0x80, v3, vm0, $0xb8;
	[tilespmem:$0x19000] =	vst v63  }
0x36: {  	v3 =	vld [tilespmem:$0x10];
	_ =	sdelay $0x4  }
0x37: {  	v56 =	vshll.u32 v3, $0x2  }
0x38: {  	v3 =	vand.u32 $0x7, v3;
	v4 =	vand.u32 $0xFFFFFFE0, v56  }
0x39: {  	v3 =	vor.u32 v3, v4  }
0x3a: {  	v4 =	vperm.xlane v3, v0;
	_ =	sdelay $0x1  }
0x3b: {  	v4 =	vadd.s32 v1, v4;
	_ =	sdelay $0x1  }
0x3c: {  	v3 =	vperm.xlane v3, v2;
	_ =	sdelay $0x1  }
0x3d: {  	s25 =	simm.s32 $0x7000;
	v3 =	vadd.s32 v1, v3  }
0x3e: {  	[tilespmem:s25], [sflag:$0x1] =	stream.indirect_vreg.gather [hbm4b:s2+s3], $0x80, v4, vm0, $0xb8;
	[tilespmem:$0x19000] =	vst v63  }
0x3f: {  	s26 =	simm.s32 $0x7800  }
0x40: {  	[tilespmem:s26], [sflag:$0x1] =	stream.indirect_vreg.gather [hbm4b:s5+s3], $0x80, v4, vm0, $0xb8;
	[tilespmem:$0x19000] =	vst v63  }
0x41: {  	s22 =	simm.s32 $0x8000  }
0x42: {  	[tilespmem:s22], [sflag:$0x1] =	stream.indirect_vreg.gather [hbm4b:s2+s3], $0x80, v3, vm0, $0xb8;
	[tilespmem:$0x19000] =	vst v63  }
0x43: {  	s23 =	simm.s32 $0x8800  }
0x44: {  	[tilespmem:s23], [sflag:$0x1] =	stream.indirect_vreg.gather [hbm4b:s5+s3], $0x80, v3, vm0, $0xb8;
	[tilespmem:$0x19000] =	vst v63  }
0x45: {  	v3 =	vld.msk [tilespmem:$0x20], $0xff;
	_ =	sdelay $0x4  }
0x46: {  	v57 =	vshll.u32 v3, $0x2  }
0x47: {  	v3 =	vand.u32 $0x7, v3;
	v4 =	vand.u32 $0xFFFFFFE0, v57  }
0x48: {  	v3 =	vor.u32 v3, v4  }
0x49: {  	v3 =	vperm.xlane v3, v0;
	_ =	sdelay $0x1  }
0x4a: {  	v3 =	vadd.s32 v1, v3;
	_ =	sdelay $0x3  }
0x4b: {  	s24 =	simm.s32 $0x9000  }
0x4c: {  	[tilespmem:s24], [sflag:$0x1] =	stream.indirect_vreg.gather [hbm4b:s2+s3], $0x80, v3, vm0, $0xb8;
	[tilespmem:$0x19000] =	vst v63  }
0x4d: {  	s25 =	simm.s32 $0x9800  }
0x4e: {  	[tilespmem:s25], [sflag:$0x1] =	stream.indirect_vreg.gather [hbm4b:s5+s3], $0x80, v3, vm0, $0xb8;
	[tilespmem:$0x19000] =	vst v63  }
0x4f: {  	v3 =	vld [tilespmem:$0x80];
	_ =	sdelay $0x4  }
0x50: {  	v58 =	vshll.u32 v3, $0x2  }
0x51: {  	v3 =	vand.u32 $0x7, v3;
	v4 =	vand.u32 $0xFFFFFFE0, v58  }
0x52: {  	v3 =	vor.u32 v3, v4  }
0x53: {  	v4 =	vperm.xlane v3, v0;
	_ =	sdelay $0x1  }
0x54: {  	v4 =	vadd.s32 v1, v4;
	_ =	sdelay $0x1  }
0x55: {  	v3 =	vperm.xlane v3, v2;
	_ =	sdelay $0x1  }
0x56: {  	v3 =	vadd.s32 v1, v3  }
0x57: {  	[tilespmem:s20], [sflag:$0x1] =	stream.indirect_vreg.gather [hbm4b:s2+s3], $0x80, v4, vm0, $0xb8;
	[tilespmem:$0x19000] =	vst v63  }
0x58: {  	s26 =	simm.s32 $0xA800  }
0x59: {  	[tilespmem:s26], [sflag:$0x1] =	stream.indirect_vreg.gather [hbm4b:s5+s3], $0x80, v4, vm0, $0xb8;
	[tilespmem:$0x19000] =	vst v63  }
0x5a: {  	s22 =	simm.s32 $0xB000  }
0x5b: {  	[tilespmem:s22], [sflag:$0x1] =	stream.indirect_vreg.gather [hbm4b:s2+s3], $0x80, v3, vm0, $0xb8;
	[tilespmem:$0x19000] =	vst v63  }
0x5c: {  	s23 =	simm.s32 $0xB800  }
0x5d: {  	[tilespmem:s23], [sflag:$0x1] =	stream.indirect_vreg.gather [hbm4b:s5+s3], $0x80, v3, vm0, $0xb8;
	[tilespmem:$0x19000] =	vst v63  }
0x5e: {  	v3 =	vld [tilespmem:$0x90];
	_ =	sdelay $0x4  }
0x5f: {  	v59 =	vshll.u32 v3, $0x2  }
0x60: {  	v3 =	vand.u32 $0x7, v3;
	v4 =	vand.u32 $0xFFFFFFE0, v59  }
0x61: {  	v3 =	vor.u32 v3, v4  }
0x62: {  	v4 =	vperm.xlane v3, v0;
	_ =	sdelay $0x1  }
0x63: {  	v4 =	vadd.s32 v1, v4;
	_ =	sdelay $0x1  }
0x64: {  	v3 =	vperm.xlane v3, v2;
	_ =	sdelay $0x1  }
0x65: {  	s24 =	simm.s32 $0xC000;
	v3 =	vadd.s32 v1, v3  }
0x66: {  	[tilespmem:s24], [sflag:$0x1] =	stream.indirect_vreg.gather [hbm4b:s2+s3], $0x80, v4, vm0, $0xb8;
	[tilespmem:$0x19000] =	vst v63  }
0x67: {  	s25 =	simm.s32 $0xC800  }
0x68: {  	[tilespmem:s25], [sflag:$0x1] =	stream.indirect_vreg.gather [hbm4b:s5+s3], $0x80, v4, vm0, $0xb8;
	[tilespmem:$0x19000] =	vst v63  }
0x69: {  	s26 =	simm.s32 $0xD000  }
0x6a: {  	[tilespmem:s26], [sflag:$0x1] =	stream.indirect_vreg.gather [hbm4b:s2+s3], $0x80, v3, vm0, $0xb8;
	[tilespmem:$0x19000] =	vst v63  }
0x6b: {  	_ = 	snop  }
0x6c: {  	[tilespmem:s28], [sflag:$0x1] =	stream.indirect_vreg.gather [hbm4b:s5+s3], $0x80, v3, vm0, $0xb8;
	[tilespmem:$0x19000] =	vst v63  }
0x6d: {  	v3 =	vld.msk [tilespmem:$0xA0], $0xff;
	_ =	sdelay $0x4  }
0x6e: {  	v60 =	vshll.u32 v3, $0x2  }
0x6f: {  	v3 =	vand.u32 $0x7, v3;
	v4 =	vand.u32 $0xFFFFFFE0, v60  }
0x70: {  	v3 =	vor.u32 v3, v4  }
0x71: {  	v3 =	vperm.xlane v3, v0;
	_ =	sdelay $0x1  }
0x72: {  	v3 =	vadd.s32 v1, v3;
	_ =	sdelay $0x4  }
0x73: {  	[tilespmem:s29], [sflag:$0x1] =	stream.indirect_vreg.gather [hbm4b:s2+s3], $0x80, v3, vm0, $0xb8;
	[tilespmem:$0x19000] =	vst v63  }
0x74: {  	_ = 	snop  }
0x75: {  	[tilespmem:s30], [sflag:$0x1] =	stream.indirect_vreg.gather [hbm4b:s5+s3], $0x80, v3, vm0, $0xb8;
	[tilespmem:$0x19000] =	vst v63  }
0x76: {  	v3 =	vld [tilespmem:$0x100];
	_ =	sdelay $0x4  }
0x77: {  	v61 =	vshll.u32 v3, $0x2  }
0x78: {  	v3 =	vand.u32 $0x7, v3;
	v4 =	vand.u32 $0xFFFFFFE0, v61  }
0x79: {  	v3 =	vor.u32 v3, v4  }
0x7a: {  	v4 =	vperm.xlane v3, v0;
	_ =	sdelay $0x1  }
0x7b: {  	v4 =	vadd.s32 v1, v4;
	_ =	sdelay $0x1  }
0x7c: {  	v3 =	vperm.xlane v3, v2;
	_ =	sdelay $0x1  }
0x7d: {  	v3 =	vadd.s32 v1, v3  }
0x7e: {  	[tilespmem:s31], [sflag:$0x1] =	stream.indirect_vreg.gather [hbm4b:s2+s3], $0x80, v4, vm0, $0xb8;
	[tilespmem:$0x19000] =	vst v63  }
0x7f: {  	_ = 	snop  }
0x80: {  	[tilespmem:s1], [sflag:$0x1] =	stream.indirect_vreg.gather [hbm4b:s5+s3], $0x80, v4, vm0, $0xb8;
	[tilespmem:$0x19000] =	vst v63  }
0x81: {  	_ = 	snop  }
0x82: {  	[tilespmem:s0], [sflag:$0x1] =	stream.indirect_vreg.gather [hbm4b:s2+s3], $0x80, v3, vm0, $0xb8;
	[tilespmem:$0x19000] =	vst v63  }
0x83: {  	_ = 	snop  }
0x84: {  	[tilespmem:s4], [sflag:$0x1] =	stream.indirect_vreg.gather [hbm4b:s5+s3], $0x80, v3, vm0, $0xb8;
	[tilespmem:$0x19000] =	vst v63  }
0x85: {  	v3 =	vld [tilespmem:$0x110];
	_ =	sdelay $0x4  }
0x86: {  	v62 =	vshll.u32 v3, $0x2  }
0x87: {  	v3 =	vand.u32 $0x7, v3;
	v4 =	vand.u32 $0xFFFFFFE0, v62  }
0x88: {  	v3 =	vor.u32 v3, v4  }
0x89: {  	v4 =	vperm.xlane v3, v0;
	_ =	sdelay $0x1  }
0x8a: {  	v4 =	vadd.s32 v1, v4;
	_ =	sdelay $0x1  }
0x8b: {  	v3 =	vperm.xlane v3, v2;
	_ =	sdelay $0x1  }
0x8c: {  	v3 =	vadd.s32 v1, v3  }
0x8d: {  	[tilespmem:s6], [sflag:$0x1] =	stream.indirect_vreg.gather [hbm4b:s2+s3], $0x80, v4, vm0, $0xb8;
	[tilespmem:$0x19000] =	vst v63  }
0x8e: {  	_ = 	snop  }
0x8f: {  	[tilespmem:s9], [sflag:$0x1] =	stream.indirect_vreg.gather [hbm4b:s5+s3], $0x80, v4, vm0, $0xb8;
	[tilespmem:$0x19000] =	vst v63  }
0x90: {  	_ = 	snop  }
0x91: {  	[tilespmem:s11], [sflag:$0x1] =	stream.indirect_vreg.gather [hbm4b:s2+s3], $0x80, v3, vm0, $0xb8;
	[tilespmem:$0x19000] =	vst v63  }
0x92: {  	_ = 	snop  }
0x93: {  	[tilespmem:s12], [sflag:$0x1] =	stream.indirect_vreg.gather [hbm4b:s5+s3], $0x80, v3, vm0, $0xb8;
	[tilespmem:$0x19000] =	vst v63  }
0x94: {  	v3 =	vld.msk [tilespmem:$0x120], $0xff;
	_ =	sdelay $0x4  }
0x95: {  	v63 =	vshll.u32 v3, $0x2  }
0x96: {  	v3 =	vand.u32 $0x7, v3;
	v4 =	vand.u32 $0xFFFFFFE0, v63  }
0x97: {  	v3 =	vor.u32 v3, v4  }
0x98: {  	v3 =	vperm.xlane v3, v0;
	_ =	sdelay $0x1  }
0x99: {  	v3 =	vadd.s32 v1, v3;
	_ =	sdelay $0x4  }
0x9a: {  	[tilespmem:s13], [sflag:$0x1] =	stream.indirect_vreg.gather [hbm4b:s2+s3], $0x80, v3, vm0, $0xb8;
	[tilespmem:$0x19000] =	vst v63  }
0x9b: {  	s21 =	simm.s32 $0x320;
	s22 =	simm.s32 $0x0  }
0x9c: {  	[tilespmem:s14], [sflag:$0x1] =	stream.indirect_vreg.gather [hbm4b:s5+s3], $0x80, v3, vm0, $0xb8;
	[tilespmem:$0x19000] =	vst v63  }
.LBB2_2:
0x9d: {  	_ =	swait.ge [sflag:s15], $0x5000  }
0x9e: {  	p0 =	sne.s32 s22, $0x0;
	[sflag:s15] =	ssyncset.done $0x0  }
0x9f: {  	s23 =	sadd.s32 s22, s8;
	s24 =	simm.s32 @p0 $0x2;
	[sflag:s15] =	ssyncadd.s32 $0xFFFFB000  }
0xa0: {  	[hbm4b:s23+s3] =	stream.linear.scatter [tilespmem:s10], [sflag:$0x2], $0x5000, $0x38;
	[tilespmem:$0x19000] =	vst v63  }
0xa1: {  	_ =	swait.ge @p0 [sflag:s24], $0x5000  }
0xa2: {  	[sflag:s24] =	ssyncset.done @p0 $0x0  }
0xa3: {  	[sflag:s24] =	ssyncadd.s32 @p0 $0xFFFFB000  }
0xa4: {  	v3 =	vld @p0 [tilespmem:s21+$0xFFFFFE60];
	_ =	sdelay $0x4  }
0xa5: {  	v4 =	vshll.u32 @p0 v3, $0x2  }
0xa6: {  	v5 =	vlaneseq.u32 @p0;
	v3 =	vand.u32 @p0 $0x7, v3;
	v4 =	vand.u32 @p0 $0xFFFFFFE0, v4  }
0xa7: {  	v6 =	vshrl.u32 @p0 v5, $0x3;
	v3 =	vor.u32 @p0 v3, v4;
	v4 =	vand.u32 @p0 $0x7, v5  }
0xa8: {  	v6 =	vmul.u32 @p0 $0x8, v6;
	v7 =	vperm.xlane @p0 v3, v4;
	_ =	sdelay $0x1  }
0xa9: {  	v7 =	vadd.s32 @p0 v6, v7  }
0xaa: {  	v5 =	vor.u32 @p0 $0x8, v5  }
0xab: {  	v3 =	vperm.xlane @p0 v3, v5;
	_ =	sdelay $0x1  }
0xac: {  	vm1 =	vmmov @p0 $0xffff;
	s25 =	simm.s32 @p0 $0x14000;
	s24 =	simm.s32 @p0 $0x0;
	v3 =	vadd.s32 @p0 v6, v3  }
0xad: {  	[tilespmem:s25], [sflag:$0x1] =	stream.indirect_vreg.gather @p0 [hbm4b:s2+s24], $0x80, v7, vm1, $0xb8;
	[tilespmem:$0x19000] =	vst v63  }
0xae: {  	s25 =	simm.s32 @p0 $0x14800  }
0xaf: {  	[tilespmem:s25], [sflag:$0x1] =	stream.indirect_vreg.gather @p0 [hbm4b:s5+s24], $0x80, v7, vm1, $0xb8;
	[tilespmem:$0x19000] =	vst v63  }
0xb0: {  	s25 =	simm.s32 @p0 $0x15000  }
0xb1: {  	[tilespmem:s25], [sflag:$0x1] =	stream.indirect_vreg.gather @p0 [hbm4b:s2+s24], $0x80, v3, vm1, $0xb8;
	[tilespmem:$0x19000] =	vst v63  }
0xb2: {  	s25 =	simm.s32 @p0 $0x15800  }
0xb3: {  	[tilespmem:s25], [sflag:$0x1] =	stream.indirect_vreg.gather @p0 [hbm4b:s5+s24], $0x80, v3, vm1, $0xb8;
	[tilespmem:$0x19000] =	vst v63  }
0xb4: {  	v3 =	vld @p0 [tilespmem:s21+$0xFFFFFE70];
	_ =	sdelay $0x4  }
0xb5: {  	v7 =	vshll.u32 @p0 v3, $0x2  }
0xb6: {  	v3 =	vand.u32 @p0 $0x7, v3;
	v7 =	vand.u32 @p0 $0xFFFFFFE0, v7  }
0xb7: {  	v3 =	vor.u32 @p0 v3, v7  }
0xb8: {  	v4 =	vperm.xlane @p0 v3, v4;
	_ =	sdelay $0x1  }
0xb9: {  	v4 =	vadd.s32 @p0 v6, v4;
	_ =	sdelay $0x1  }
0xba: {  	v3 =	vperm.xlane @p0 v3, v5;
	_ =	sdelay $0x1  }
0xbb: {  	s25 =	simm.s32 @p0 $0x16000;
	v3 =	vadd.s32 @p0 v6, v3  }
0xbc: {  	[tilespmem:s25], [sflag:$0x1] =	stream.indirect_vreg.gather @p0 [hbm4b:s2+s24], $0x80, v4, vm1, $0xb8;
	[tilespmem:$0x19000] =	vst v63  }
0xbd: {  	s25 =	simm.s32 @p0 $0x16800  }
0xbe: {  	[tilespmem:s25], [sflag:$0x1] =	stream.indirect_vreg.gather @p0 [hbm4b:s5+s24], $0x80, v4, vm1, $0xb8;
	[tilespmem:$0x19000] =	vst v63  }
0xbf: {  	s25 =	simm.s32 @p0 $0x17000  }
0xc0: {  	[tilespmem:s25], [sflag:$0x1] =	stream.indirect_vreg.gather @p0 [hbm4b:s2+s24], $0x80, v3, vm1, $0xb8;
	[tilespmem:$0x19000] =	vst v63  }
0xc1: {  	s25 =	simm.s32 @p0 $0x17800  }
0xc2: {  	[tilespmem:s25], [sflag:$0x1] =	stream.indirect_vreg.gather @p0 [hbm4b:s5+s24], $0x80, v3, vm1, $0xb8;
	[tilespmem:$0x19000] =	vst v63  }
0xc3: {  	v3 =	vld @!p0 [tilespmem:$0x180];
	_ =	sdelay $0x4  }
0xc4: {  	v4 =	vshll.u32 @!p0 v3, $0x2  }
0xc5: {  	v5 =	vlaneseq.u32 @!p0;
	v3 =	vand.u32 @!p0 $0x7, v3;
	v4 =	vand.u32 @!p0 $0xFFFFFFE0, v4  }
0xc6: {  	v6 =	vshrl.u32 @!p0 v5, $0x3;
	v3 =	vor.u32 @!p0 v3, v4;
	v4 =	vand.u32 @!p0 $0x7, v5  }
0xc7: {  	v6 =	vmul.u32 @!p0 $0x8, v6;
	v7 =	vperm.xlane @!p0 v3, v4;
	_ =	sdelay $0x1  }
0xc8: {  	v7 =	vadd.s32 @!p0 v6, v7  }
0xc9: {  	v5 =	vor.u32 @!p0 $0x8, v5  }
0xca: {  	v3 =	vperm.xlane @!p0 v3, v5;
	_ =	sdelay $0x1  }
0xcb: {  	vm1 =	vmmov @!p0 $0xffff;
	s24 =	simm.s32 @!p0 $0x0;
	s25 =	simm.s32 @!p0 $0x14000;
	v3 =	vadd.s32 @!p0 v6, v3  }
0xcc: {  	[tilespmem:s25], [sflag:$0x1] =	stream.indirect_vreg.gather @!p0 [hbm4b:s2+s24], $0x80, v7, vm1, $0xb8;
	[tilespmem:$0x19000] =	vst v63  }
0xcd: {  	s25 =	simm.s32 @!p0 $0x14800  }
0xce: {  	[tilespmem:s25], [sflag:$0x1] =	stream.indirect_vreg.gather @!p0 [hbm4b:s5+s24], $0x80, v7, vm1, $0xb8;
	[tilespmem:$0x19000] =	vst v63  }
0xcf: {  	s25 =	simm.s32 @!p0 $0x15000  }
0xd0: {  	[tilespmem:s25], [sflag:$0x1] =	stream.indirect_vreg.gather @!p0 [hbm4b:s2+s24], $0x80, v3, vm1, $0xb8;
	[tilespmem:$0x19000] =	vst v63  }
0xd1: {  	s25 =	simm.s32 @!p0 $0x15800  }
0xd2: {  	[tilespmem:s25], [sflag:$0x1] =	stream.indirect_vreg.gather @!p0 [hbm4b:s5+s24], $0x80, v3, vm1, $0xb8;
	[tilespmem:$0x19000] =	vst v63  }
0xd3: {  	v3 =	vld @!p0 [tilespmem:$0x190];
	_ =	sdelay $0x4  }
0xd4: {  	v7 =	vshll.u32 @!p0 v3, $0x2  }
0xd5: {  	v3 =	vand.u32 @!p0 $0x7, v3;
	v7 =	vand.u32 @!p0 $0xFFFFFFE0, v7  }
0xd6: {  	v3 =	vor.u32 @!p0 v3, v7  }
0xd7: {  	v4 =	vperm.xlane @!p0 v3, v4;
	_ =	sdelay $0x1  }
0xd8: {  	v4 =	vadd.s32 @!p0 v6, v4;
	_ =	sdelay $0x1  }
0xd9: {  	v3 =	vperm.xlane @!p0 v3, v5;
	_ =	sdelay $0x1  }
0xda: {  	s25 =	simm.s32 @!p0 $0x16000;
	v3 =	vadd.s32 @!p0 v6, v3  }
0xdb: {  	[tilespmem:s25], [sflag:$0x1] =	stream.indirect_vreg.gather @!p0 [hbm4b:s2+s24], $0x80, v4, vm1, $0xb8;
	[tilespmem:$0x19000] =	vst v63  }
0xdc: {  	s25 =	simm.s32 @!p0 $0x16800  }
0xdd: {  	[tilespmem:s25], [sflag:$0x1] =	stream.indirect_vreg.gather @!p0 [hbm4b:s5+s24], $0x80, v4, vm1, $0xb8;
	[tilespmem:$0x19000] =	vst v63  }
0xde: {  	s25 =	simm.s32 @!p0 $0x17000  }
0xdf: {  	[tilespmem:s25], [sflag:$0x1] =	stream.indirect_vreg.gather @!p0 [hbm4b:s2+s24], $0x80, v3, vm1, $0xb8;
	[tilespmem:$0x19000] =	vst v63  }
0xe0: {  	s25 =	sadd.s32 @p0 $0xFFFFFE80, s21  }
0xe1: {  	s26 =	simm.s32 @!p0 $0x17800;
	s25 =	simm.s32 @!p0 $0x1A0  }
0xe2: {  	[tilespmem:s26], [sflag:$0x1] =	stream.indirect_vreg.gather @!p0 [hbm4b:s5+s24], $0x80, v3, vm1, $0xb8;
	[tilespmem:$0x19000] =	vst v63  }
0xe3: {  	v3 =	vld.msk [tilespmem:s25+$0x0], $0xff;
	_ =	sdelay $0x4  }
0xe4: {  	v63 =	vshll.u32 v3, $0x2  }
0xe5: {  	v3 =	vand.u32 $0x7, v3;
	v4 =	vand.u32 $0xFFFFFFE0, v63  }
0xe6: {  	v3 =	vor.u32 v3, v4  }
0xe7: {  	v3 =	vperm.xlane v3, v0;
	_ =	sdelay $0x1  }
0xe8: {  	v3 =	vadd.s32 v1, v3;
	_ =	sdelay $0x4  }
0xe9: {  	[tilespmem:s16], [sflag:$0x1] =	stream.indirect_vreg.gather [hbm4b:s2+s3], $0x80, v3, vm0, $0xb8;
	[tilespmem:$0x19000] =	vst v63  }
0xea: {  	p0 =	seq.s32 s22, $0x61800  }
0xeb: {  	[tilespmem:s17], [sflag:$0x1] =	stream.indirect_vreg.gather [hbm4b:s5+s3], $0x80, v3, vm0, $0xb8;
	[tilespmem:$0x19000] =	vst v63  }
.Ltmp2:
0xec: {  	_ = 	snop;
	(pc) =	sbr.rel @!p0 .LBB2_3-.Ltmp2, $4  }
0xed: {  	_ =	swait.ge [sflag:s15], $0x5000  }
0xee: {  	[sflag:s15] =	ssyncset.done $0x0  }
0xef: {  	s26 =	sadd.s32 $0xA00, s23;
	[sflag:s15] =	ssyncadd.s32 $0xFFFFB000  }
0xf0: {  	[hbm4b:s26+s3] =	stream.linear.scatter [tilespmem:s20], [sflag:$0x2], $0x5000, $0x38;
	[tilespmem:$0x19000] =	vst v63  }
.Ltmp3:
0xf1: {  	(pc) =	sbr.rel .LBB2_5-.Ltmp3, $4  }
0xf2: {  	_ =	swait.ge [sflag:s15], $0x5000  }
0xf3: {  	[sflag:s15] =	ssyncset.done $0x0  }
0xf4: {  	[sflag:s15] =	ssyncadd.s32 $0xFFFFB000  }
0xf5: {  	[hbm4b:s7+s3] =	stream.linear.scatter [tilespmem:s31], [sflag:$0x2], $0x5000, $0x38;
	[tilespmem:$0x19000] =	vst v63  }
.LBB2_3:
0xf6: {  	_ =	swait.ge [sflag:s19], $0x5000  }
0xf7: {  	[sflag:s19] =	ssyncset.done $0x0  }
0xf8: {  	[sflag:s19] =	ssyncadd.s32 $0xFFFFB000  }
0xf9: {  	v3 =	vld [tilespmem:s21+$0xFFFFFEE0];
	_ =	sdelay $0x4  }
0xfa: {  	v4 =	vshll.u32 v3, $0x2  }
0xfb: {  	v3 =	vand.u32 $0x7, v3;
	v4 =	vand.u32 $0xFFFFFFE0, v4  }
0xfc: {  	v3 =	vor.u32 v3, v4  }
0xfd: {  	v4 =	vperm.xlane v3, v0;
	_ =	sdelay $0x1  }
0xfe: {  	v4 =	vadd.s32 v1, v4;
	_ =	sdelay $0x1  }
0xff: {  	v3 =	vperm.xlane v3, v2;
	_ =	sdelay $0x1  }
0x100: {  	v3 =	vadd.s32 v1, v3  }
0x101: {  	[tilespmem:s10], [sflag:$0x1] =	stream.indirect_vreg.gather [hbm4b:s2+s3], $0x80, v4, vm0, $0xb8;
	[tilespmem:$0x19000] =	vst v63  }
0x102: {  	s24 =	simm.s32 $0x5800  }
0x103: {  	[tilespmem:s24], [sflag:$0x1] =	stream.indirect_vreg.gather [hbm4b:s5+s3], $0x80, v4, vm0, $0xb8;
	[tilespmem:$0x19000] =	vst v63  }
0x104: {  	s26 =	simm.s32 $0x6000  }
0x105: {  	[tilespmem:s26], [sflag:$0x1] =	stream.indirect_vreg.gather [hbm4b:s2+s3], $0x80, v3, vm0, $0xb8;
	[tilespmem:$0x19000] =	vst v63  }
0x106: {  	s25 =	simm.s32 $0x6800  }
0x107: {  	[tilespmem:s25], [sflag:$0x1] =	stream.indirect_vreg.gather [hbm4b:s5+s3], $0x80, v3, vm0, $0xb8;
	[tilespmem:$0x19000] =	vst v63  }
0x108: {  	v3 =	vld [tilespmem:s21+$0xFFFFFEF0];
	_ =	sdelay $0x4  }
0x109: {  	v59 =	vshll.u32 v3, $0x2  }
0x10a: {  	v3 =	vand.u32 $0x7, v3;
	v4 =	vand.u32 $0xFFFFFFE0, v59  }
0x10b: {  	v3 =	vor.u32 v3, v4  }
0x10c: {  	v4 =	vperm.xlane v3, v0;
	_ =	sdelay $0x1  }
0x10d: {  	v4 =	vadd.s32 v1, v4;
	_ =	sdelay $0x1  }
0x10e: {  	v3 =	vperm.xlane v3, v2;
	_ =	sdelay $0x1  }
0x10f: {  	s26 =	simm.s32 $0x7000;
	v3 =	vadd.s32 v1, v3  }
0x110: {  	[tilespmem:s26], [sflag:$0x1] =	stream.indirect_vreg.gather [hbm4b:s2+s3], $0x80, v4, vm0, $0xb8;
	[tilespmem:$0x19000] =	vst v63  }
0x111: {  	s25 =	simm.s32 $0x7800  }
0x112: {  	[tilespmem:s25], [sflag:$0x1] =	stream.indirect_vreg.gather [hbm4b:s5+s3], $0x80, v4, vm0, $0xb8;
	[tilespmem:$0x19000] =	vst v63  }
0x113: {  	s26 =	simm.s32 $0x8000  }
0x114: {  	[tilespmem:s26], [sflag:$0x1] =	stream.indirect_vreg.gather [hbm4b:s2+s3], $0x80, v3, vm0, $0xb8;
	[tilespmem:$0x19000] =	vst v63  }
0x115: {  	s25 =	simm.s32 $0x8800  }
0x116: {  	[tilespmem:s25], [sflag:$0x1] =	stream.indirect_vreg.gather [hbm4b:s5+s3], $0x80, v3, vm0, $0xb8;
	[tilespmem:$0x19000] =	vst v63  }
0x117: {  	v3 =	vld.msk [tilespmem:s21+$0xFFFFFF00], $0xff;
	_ =	sdelay $0x4  }
0x118: {  	v60 =	vshll.u32 v3, $0x2  }
0x119: {  	v3 =	vand.u32 $0x7, v3;
	v4 =	vand.u32 $0xFFFFFFE0, v60  }
0x11a: {  	v3 =	vor.u32 v3, v4  }
0x11b: {  	v3 =	vperm.xlane v3, v0;
	_ =	sdelay $0x1  }
0x11c: {  	v3 =	vadd.s32 v1, v3;
	_ =	sdelay $0x3  }
0x11d: {  	s26 =	simm.s32 $0x9000  }
0x11e: {  	[tilespmem:s26], [sflag:$0x1] =	stream.indirect_vreg.gather [hbm4b:s2+s3], $0x80, v3, vm0, $0xb8;
	[tilespmem:$0x19000] =	vst v63  }
0x11f: {  	s25 =	simm.s32 $0x9800  }
0x120: {  	[tilespmem:s25], [sflag:$0x1] =	stream.indirect_vreg.gather [hbm4b:s5+s3], $0x80, v3, vm0, $0xb8;
	[tilespmem:$0x19000] =	vst v63  }
0x121: {  	_ =	swait.ge [sflag:s15], $0x5000  }
0x122: {  	[sflag:s15] =	ssyncset.done $0x0  }
0x123: {  	s26 =	sadd.s32 $0x1400, s23;
	[sflag:s15] =	ssyncadd.s32 $0xFFFFB000  }
0x124: {  	[hbm4b:s26+s3] =	stream.linear.scatter [tilespmem:s31], [sflag:$0x2], $0x5000, $0x38;
	[tilespmem:$0x19000] =	vst v63  }
0x125: {  	_ =	swait.ge [sflag:s19], $0x5000  }
0x126: {  	[sflag:s19] =	ssyncset.done $0x0  }
0x127: {  	[sflag:s19] =	ssyncadd.s32 $0xFFFFB000  }
0x128: {  	v3 =	vld [tilespmem:s21+$0xFFFFFF60];
	_ =	sdelay $0x4  }
0x129: {  	v61 =	vshll.u32 v3, $0x2  }
0x12a: {  	v3 =	vand.u32 $0x7, v3;
	v4 =	vand.u32 $0xFFFFFFE0, v61  }
0x12b: {  	v3 =	vor.u32 v3, v4  }
0x12c: {  	v4 =	vperm.xlane v3, v0;
	_ =	sdelay $0x1  }
0x12d: {  	v4 =	vadd.s32 v1, v4;
	_ =	sdelay $0x1  }
0x12e: {  	v3 =	vperm.xlane v3, v2;
	_ =	sdelay $0x1  }
0x12f: {  	v3 =	vadd.s32 v1, v3  }
0x130: {  	[tilespmem:s20], [sflag:$0x1] =	stream.indirect_vreg.gather [hbm4b:s2+s3], $0x80, v4, vm0, $0xb8;
	[tilespmem:$0x19000] =	vst v63  }
0x131: {  	s25 =	simm.s32 $0xA800  }
0x132: {  	[tilespmem:s25], [sflag:$0x1] =	stream.indirect_vreg.gather [hbm4b:s5+s3], $0x80, v4, vm0, $0xb8;
	[tilespmem:$0x19000] =	vst v63  }
0x133: {  	s26 =	simm.s32 $0xB000  }
0x134: {  	[tilespmem:s26], [sflag:$0x1] =	stream.indirect_vreg.gather [hbm4b:s2+s3], $0x80, v3, vm0, $0xb8;
	[tilespmem:$0x19000] =	vst v63  }
0x135: {  	s25 =	simm.s32 $0xB800  }
0x136: {  	[tilespmem:s25], [sflag:$0x1] =	stream.indirect_vreg.gather [hbm4b:s5+s3], $0x80, v3, vm0, $0xb8;
	[tilespmem:$0x19000] =	vst v63  }
0x137: {  	v3 =	vld [tilespmem:s21+$0xFFFFFF70];
	_ =	sdelay $0x4  }
0x138: {  	v62 =	vshll.u32 v3, $0x2  }
0x139: {  	v3 =	vand.u32 $0x7, v3;
	v4 =	vand.u32 $0xFFFFFFE0, v62  }
0x13a: {  	v3 =	vor.u32 v3, v4  }
0x13b: {  	v4 =	vperm.xlane v3, v0;
	_ =	sdelay $0x1  }
0x13c: {  	v4 =	vadd.s32 v1, v4;
	_ =	sdelay $0x1  }
0x13d: {  	v3 =	vperm.xlane v3, v2;
	_ =	sdelay $0x1  }
0x13e: {  	s26 =	simm.s32 $0xC000;
	v3 =	vadd.s32 v1, v3  }
0x13f: {  	[tilespmem:s26], [sflag:$0x1] =	stream.indirect_vreg.gather [hbm4b:s2+s3], $0x80, v4, vm0, $0xb8;
	[tilespmem:$0x19000] =	vst v63  }
0x140: {  	s25 =	simm.s32 $0xC800  }
0x141: {  	[tilespmem:s25], [sflag:$0x1] =	stream.indirect_vreg.gather [hbm4b:s5+s3], $0x80, v4, vm0, $0xb8;
	[tilespmem:$0x19000] =	vst v63  }
0x142: {  	s26 =	simm.s32 $0xD000  }
0x143: {  	[tilespmem:s26], [sflag:$0x1] =	stream.indirect_vreg.gather [hbm4b:s2+s3], $0x80, v3, vm0, $0xb8;
	[tilespmem:$0x19000] =	vst v63  }
0x144: {  	_ = 	snop  }
0x145: {  	[tilespmem:s28], [sflag:$0x1] =	stream.indirect_vreg.gather [hbm4b:s5+s3], $0x80, v3, vm0, $0xb8;
	[tilespmem:$0x19000] =	vst v63  }
0x146: {  	v3 =	vld.msk [tilespmem:s21+$0xFFFFFF80], $0xff;
	_ =	sdelay $0x4  }
0x147: {  	v63 =	vshll.u32 v3, $0x2  }
0x148: {  	v3 =	vand.u32 $0x7, v3;
	v4 =	vand.u32 $0xFFFFFFE0, v63  }
0x149: {  	v3 =	vor.u32 v3, v4  }
0x14a: {  	v3 =	vperm.xlane v3, v0;
	_ =	sdelay $0x1  }
0x14b: {  	v3 =	vadd.s32 v1, v3;
	_ =	sdelay $0x4  }
0x14c: {  	[tilespmem:s29], [sflag:$0x1] =	stream.indirect_vreg.gather [hbm4b:s2+s3], $0x80, v3, vm0, $0xb8;
	[tilespmem:$0x19000] =	vst v63  }
0x14d: {  	_ = 	snop  }
0x14e: {  	[tilespmem:s30], [sflag:$0x1] =	stream.indirect_vreg.gather [hbm4b:s5+s3], $0x80, v3, vm0, $0xb8;
	[tilespmem:$0x19000] =	vst v63  }
.LBB2_5:
0x14f: {  	_ =	swait.ge [sflag:s15], $0x5000  }
0x150: {  	[sflag:s15] =	ssyncset.done $0x0  }
.Ltmp4:
0x151: {  	s23 =	sadd.s32 $0x1E00, s23;
	[sflag:s15] =	ssyncadd.s32 $0xFFFFB000;
	(pc) =	sbr.rel @p0 .LBB2_7-.Ltmp4, $4  }
0x152: {  	[hbm4b:s23+s3] =	stream.linear.scatter [tilespmem:s18], [sflag:$0x2], $0x5000, $0x38;
	[tilespmem:$0x19000] =	vst v63  }
0x153: {  	_ =	swait.ge [sflag:s19], $0x5000  }
0x154: {  	[sflag:s19] =	ssyncset.done $0x0  }
0x155: {  	[sflag:s19] =	ssyncadd.s32 $0xFFFFB000  }
0x156: {  	v3 =	vld [tilespmem:s21+$0xFFFFFFE0];
	_ =	sdelay $0x4  }
0x157: {  	v4 =	vshll.u32 v3, $0x2  }
0x158: {  	v3 =	vand.u32 $0x7, v3;
	v4 =	vand.u32 $0xFFFFFFE0, v4  }
0x159: {  	v3 =	vor.u32 v3, v4  }
0x15a: {  	v4 =	vperm.xlane v3, v0;
	_ =	sdelay $0x1  }
0x15b: {  	v4 =	vadd.s32 v1, v4;
	_ =	sdelay $0x1  }
0x15c: {  	v3 =	vperm.xlane v3, v2;
	_ =	sdelay $0x1  }
0x15d: {  	v3 =	vadd.s32 v1, v3  }
0x15e: {  	[tilespmem:s31], [sflag:$0x1] =	stream.indirect_vreg.gather [hbm4b:s2+s3], $0x80, v4, vm0, $0xb8;
	[tilespmem:$0x19000] =	vst v63  }
0x15f: {  	_ = 	snop  }
0x160: {  	[tilespmem:s1], [sflag:$0x1] =	stream.indirect_vreg.gather [hbm4b:s5+s3], $0x80, v4, vm0, $0xb8;
	[tilespmem:$0x19000] =	vst v63  }
0x161: {  	_ = 	snop  }
0x162: {  	[tilespmem:s0], [sflag:$0x1] =	stream.indirect_vreg.gather [hbm4b:s2+s3], $0x80, v3, vm0, $0xb8;
	[tilespmem:$0x19000] =	vst v63  }
0x163: {  	_ = 	snop  }
0x164: {  	[tilespmem:s4], [sflag:$0x1] =	stream.indirect_vreg.gather [hbm4b:s5+s3], $0x80, v3, vm0, $0xb8;
	[tilespmem:$0x19000] =	vst v63  }
0x165: {  	v3 =	vld [tilespmem:s21+$0xFFFFFFF0];
	_ =	sdelay $0x4  }
0x166: {  	v62 =	vshll.u32 v3, $0x2  }
0x167: {  	v3 =	vand.u32 $0x7, v3;
	v4 =	vand.u32 $0xFFFFFFE0, v62  }
0x168: {  	v3 =	vor.u32 v3, v4  }
0x169: {  	v4 =	vperm.xlane v3, v0;
	_ =	sdelay $0x1  }
0x16a: {  	v4 =	vadd.s32 v1, v4;
	_ =	sdelay $0x1  }
0x16b: {  	v3 =	vperm.xlane v3, v2;
	_ =	sdelay $0x1  }
0x16c: {  	v3 =	vadd.s32 v1, v3  }
0x16d: {  	[tilespmem:s6], [sflag:$0x1] =	stream.indirect_vreg.gather [hbm4b:s2+s3], $0x80, v4, vm0, $0xb8;
	[tilespmem:$0x19000] =	vst v63  }
0x16e: {  	_ = 	snop  }
0x16f: {  	[tilespmem:s9], [sflag:$0x1] =	stream.indirect_vreg.gather [hbm4b:s5+s3], $0x80, v4, vm0, $0xb8;
	[tilespmem:$0x19000] =	vst v63  }
0x170: {  	_ = 	snop  }
0x171: {  	[tilespmem:s11], [sflag:$0x1] =	stream.indirect_vreg.gather [hbm4b:s2+s3], $0x80, v3, vm0, $0xb8;
	[tilespmem:$0x19000] =	vst v63  }
0x172: {  	_ = 	snop  }
0x173: {  	[tilespmem:s12], [sflag:$0x1] =	stream.indirect_vreg.gather [hbm4b:s5+s3], $0x80, v3, vm0, $0xb8;
	[tilespmem:$0x19000] =	vst v63  }
0x174: {  	v3 =	vld.msk [tilespmem:s21+$0x0], $0xff;
	_ =	sdelay $0x4  }
0x175: {  	v63 =	vshll.u32 v3, $0x2  }
0x176: {  	v3 =	vand.u32 $0x7, v3;
	v4 =	vand.u32 $0xFFFFFFE0, v63  }
0x177: {  	v3 =	vor.u32 v3, v4  }
0x178: {  	v3 =	vperm.xlane v3, v0;
	_ =	sdelay $0x1  }
0x179: {  	v3 =	vadd.s32 v1, v3;
	_ =	sdelay $0x2  }
.Ltmp5:
0x17a: {  	_ = 	snop;
	(pc) =	sbr.rel .LBB2_2-.Ltmp5, $4  }
0x17b: {  	_ = 	snop  }
0x17c: {  	[tilespmem:s13], [sflag:$0x1] =	stream.indirect_vreg.gather [hbm4b:s2+s3], $0x80, v3, vm0, $0xb8;
	[tilespmem:$0x19000] =	vst v63  }
0x17d: {  	s22 =	sadd.s32 $0x2800, s22;
	s21 =	sadd.s32 $0x200, s21  }
0x17e: {  	[tilespmem:s14], [sflag:$0x1] =	stream.indirect_vreg.gather [hbm4b:s5+s3], $0x80, v3, vm0, $0xb8;
	[tilespmem:$0x19000] =	vst v63  }
.LBB2_8:
0x17f: {  	_ =	sfence.sel $0x180000  }
0x180: {  	[bflag:$0x0] =	sbarrier.arrive $0xFFFF  }
0x181: {  	_ =	strace $0x90000047  }
0x182: {  	s0 =	stileid.u32;
	[bflag:$0x2] =	sbarrier.arrive $0xFFFF  }
0x183: {  	p0 =	sne.s32 s0, $0x0;
	s0 =	rddreg [dreg:$0x3]  }
0x184: {  	s0 =	sadd.s32 @!p0 $0x100000, s0  }
0x185: {  	[sflag:s0] =	ssyncadd.tile.s32 @!p0 $0x1;
	_ =	shalt  }
.Lfunc_end2:
_tile_overlayer_lowered:
.L_overlay_start_2:
0x186: {  	(tag) =	ssettag $0x2  }
0x187: {  	s0 =	rddreg [dreg:$0x0];
	s2 =	stileid.u32  }
0x188: {  	s1 =	rddreg [dreg:$0x1];
	p0 =	sne.s32 s2, $0x0  }
0x189: {  	s3 =	rddreg [dreg:$0x2];
	[bflag:$0x3] =	sbarrier.arrive $0xFFFF;
	s2 =	simm.s32 @!p0 $0x1C03  }
0x18a: {  	[timem:s3], [sflag:s2] =	dma.local @!p0 [hbm:s0], s1  }
0x18b: {  	s0 =	simm.s32 @!p0 $0x3  }
0x18c: {  	_ =	swait.ge @!p0 [sflag:s0], s1  }
0x18d: {  	s1 =	ssub.s32 @!p0 $0x0, s1;
	[sflag:s0] =	ssyncset.done @!p0 $0x0  }
0x18e: {  	[sflag:s0] =	ssyncadd.s32 @!p0 s1  }
0x18f: {  	[bflag:$0x3] =	sbarrier.arrive $0xFFFF  }
0x190: {  	_ =	shalt  }

</sc_bundles>
